<compile_context>
chip_gen: v7x
topology: tpu7x:2x2x1
jax: 0.10.2.dev20260603
libtpu: 0.0.44.dev20260713+nightly
codegen_flags: <defaults>
</compile_context>

<pallas_src>
import functools

import jax
import jax.numpy as jnp
from jax import lax
from jax.experimental import pallas as pl
from jax.experimental.pallas import tpu as pltpu
from jax.experimental.pallas import tpu_sc as plsc

_NC = 2
_NS = 16
_LANES = 16


def _sc_scatter(N, D, E, K, NB):
    NW = _NC * _NS
    ept = E // NW
    nch = ept // K
    rpt = max(8, ((N // _NS + 7) // 8) * 8)
    while N % rpt != 0:
        rpt += 8
    nzt = N // rpt

    mesh = plsc.VectorSubcoreMesh(core_axis_name="c", subcore_axis_name="s")

    @functools.partial(
        pl.kernel,
        out_type=[
            jax.ShapeDtypeStruct((_NC, N, D), jnp.float32),
            jax.ShapeDtypeStruct((_NC, N), jnp.float32),
        ],
        mesh=mesh,
        scratch_types=[
            [pltpu.VMEM((K,), jnp.int32)] * NB,
            [pltpu.VMEM((K,), jnp.int32)] * NB,
            [pltpu.VMEM((K, D), jnp.float32)] * NB,
            [pltpu.VMEM((K, D), jnp.float32)] * NB,
            pltpu.VMEM((K,), jnp.float32),
            pltpu.VMEM_SHARED((N, D), jnp.float32),
            pltpu.VMEM_SHARED((N,), jnp.float32),
            [pltpu.SemaphoreType.DMA] * NB,
            [pltpu.SemaphoreType.DMA] * NB,
            [pltpu.SemaphoreType.DMA] * NB,
        ],
    )
    def sc_kernel(head_hbm, tail_hbm, node_hbm, rel_hbm, z2_hbm, z1_hbm,
                  o1_hbm, agg_out, deg_out,
                  hidx, tidx, nrows, rrows, ones, agg_sh, deg_sh,
                  sem_idx, sem_in, sem_out):
        c = lax.axis_index("c")
        s = lax.axis_index("s")

        @pl.when(s < nzt)
        def _():
            pltpu.sync_copy(z2_hbm.at[pl.ds(s * rpt, rpt)],
                            agg_sh.at[pl.ds(s * rpt, rpt)])

        @pl.when(s == 0)
        def _():
            pltpu.sync_copy(z1_hbm, deg_sh)

        pltpu.sync_copy(o1_hbm, ones)

        plsc.subcore_barrier()

        ebase = (c * _NS + s) * ept
        nfull = ept // K

        def issue_idx(b, ci):
            base = ebase + ci * K
            pltpu.async_copy(head_hbm.at[pl.ds(base, K)], hidx[b], sem_idx[b])
            pltpu.async_copy(tail_hbm.at[pl.ds(base, K)], tidx[b], sem_idx[b])

        def wait_idx(b):
            pltpu.make_async_copy(head_hbm.at[pl.ds(ebase, K)], hidx[b],
                                  sem_idx[b]).wait()
            pltpu.make_async_copy(head_hbm.at[pl.ds(ebase, K)], tidx[b],
                                  sem_idx[b]).wait()

        def issue_in(b, ci):
            base = ebase + ci * K
            pltpu.async_copy(node_hbm.at[hidx[b]], nrows[b], sem_in[b])
            pltpu.async_copy(rel_hbm.at[pl.ds(base, K)], rrows[b], sem_in[b])

        def finish(b):
            pltpu.make_async_copy(rel_hbm.at[pl.ds(ebase, K)], nrows[b],
                                  sem_in[b]).wait()
            pltpu.make_async_copy(rel_hbm.at[pl.ds(ebase, K)], rrows[b],
                                  sem_in[b]).wait()
            pltpu.async_copy(nrows[b], agg_sh.at[tidx[b]], sem_out[b],
                             add=True)
            pltpu.async_copy(rrows[b], agg_sh.at[tidx[b]], sem_out[b],
                             add=True)
            pltpu.async_copy(ones, deg_sh.at[tidx[b]], sem_out[b], add=True)

        def drain_out(b):
            pltpu.make_async_copy(rel_hbm.at[pl.ds(ebase, K)], nrows[b],
                                  sem_out[b]).wait()
            pltpu.make_async_copy(rel_hbm.at[pl.ds(ebase, K)], rrows[b],
                                  sem_out[b]).wait()
            pltpu.make_async_copy(z1_hbm.at[pl.ds(0, K)], ones,
                                  sem_out[b]).wait()

        def step(ci, b):
            bn = (b + 1) % NB
            wait_idx(b)
            issue_in(b, ci)

            @pl.when(ci >= NB - 1)
            def _():
                drain_out(bn)

            @pl.when(ci + 1 < nfull)
            def _():
                issue_idx(bn, ci + 1)

            @pl.when(ci >= 1)
            def _():
                finish((b + NB - 1) % NB)

        issue_idx(0, 0)
        rem = nfull % NB

        @pl.loop(0, nfull // NB)
        def _(o):
            for db in range(NB):
                step(o * NB + db, db)

        for t in range(rem):
            ci = nfull - rem + t
            step(ci, ci % NB)
        b_last = (nfull - 1) % NB
        finish(b_last)
        for db in range(2, NB + 1):
            drain_out((b_last + db) % NB)

        plsc.subcore_barrier()

        @pl.when(s < nzt)
        def _():
            pltpu.sync_copy(agg_sh.at[pl.ds(s * rpt, rpt)],
                            agg_out.at[c, pl.ds(s * rpt, rpt)])

        @pl.when(s == 0)
        def _():
            pltpu.sync_copy(deg_sh, deg_out.at[c])

    return sc_kernel


def _tc_dense(N, D, B):

    def body(node_ref, aggp_ref, degp_ref, wm_ref, bm_ref, wu1_ref, wu2_ref,
             bu_ref, g_ref, b_ref, out_ref):
        def dot_t(x, w):
            return lax.dot_general(x, w, (((1,), (1,)), ((), ())),
                                   preferred_element_type=jnp.float32)

        node = node_ref[...]
        agg_pre = aggp_ref[0] + aggp_ref[1]
        deg = degp_ref[:, 0:1] + degp_ref[:, 1:2]

        agg = dot_t(agg_pre, wm_ref[...])
        agg = agg + deg * bm_ref[...]
        agg = agg / jnp.maximum(deg, 1.0)

        upd = (dot_t(node, wu1_ref[...]) + dot_t(agg, wu2_ref[...])
               + bu_ref[...])
        gelu = 0.5 * upd * (1.0 + lax.erf(upd * 0.7071067811865476))
        out = node + gelu

        mean = jnp.mean(out, axis=-1, keepdims=True)
        cent = out - mean
        var = jnp.mean(cent * cent, axis=-1, keepdims=True)
        normed = cent * lax.rsqrt(var + 1e-5)
        out_ref[...] = normed * g_ref[...] + b_ref[...]

    grid = (N // B,)
    return pl.pallas_call(
        body,
        grid=grid,
        in_specs=[
            pl.BlockSpec((B, D), lambda i: (i, 0)),
            pl.BlockSpec((_NC, B, D), lambda i: (0, i, 0)),
            pl.BlockSpec((B, _NC), lambda i: (i, 0)),
            pl.BlockSpec((D, D), lambda i: (0, 0)),
            pl.BlockSpec((1, D), lambda i: (0, 0)),
            pl.BlockSpec((D, D), lambda i: (0, 0)),
            pl.BlockSpec((D, D), lambda i: (0, 0)),
            pl.BlockSpec((1, D), lambda i: (0, 0)),
            pl.BlockSpec((1, D), lambda i: (0, 0)),
            pl.BlockSpec((1, D), lambda i: (0, 0)),
        ],
        out_specs=pl.BlockSpec((B, D), lambda i: (i, 0)),
        out_shape=jax.ShapeDtypeStruct((N, D), jnp.float32),
    )


def kernel(node_tokens, relation_tokens, edge_index, num_nodes,
           W_msg, b_msg, W_upd, b_upd, gamma, beta):
    N, D = node_tokens.shape
    E = relation_tokens.shape[0]
    K = 40
    NB = 4
    assert E % (_NC * _NS * K) == 0 and N % _NS == 0 and D % _LANES == 0

    z2 = jnp.zeros((N, D), jnp.float32)
    z1 = jnp.zeros((N,), jnp.float32)
    o1 = jnp.ones((K,), jnp.float32)

    agg_parts, deg_parts = _sc_scatter(N, D, E, K, NB)(
        edge_index[0], edge_index[1], node_tokens, relation_tokens, z2, z1, o1)

    deg_t = deg_parts.T

    B = 2000
    out = _tc_dense(N, D, B)(
        node_tokens, agg_parts, deg_t, W_msg,
        b_msg.reshape(1, D), W_upd[:, :D], W_upd[:, D:],
        b_upd.reshape(1, D), gamma.reshape(1, D), beta.reshape(1, D))
    return out

# --- scband reference (transcript-rebuilt; emitter-appended) ---
"""Pipeline reference for scband-relational-gnnlayer-69011534512378 (READ-ONLY COPY).

The authoritative reference and input builder live on the scoring server;
editing this copy changes nothing except your own understanding.
"""

import jax, jax.numpy as jnp
import numpy as np

N = 10000
E = 320000
D = 128


def _xavier_uniform(key, shape):
    fan_out, fan_in = shape
    bound = float(np.sqrt(6.0 / (fan_in + fan_out)))
    return jax.random.uniform(key, shape, dtype=jnp.float32, minval=-bound, maxval=bound)


def setup_inputs(seed: int = 0) -> dict:
    key = jax.random.key(seed)
    ks = jax.random.split(key, 8)
    node_tokens = jax.random.normal(ks[0], (N, D), dtype=jnp.float32)
    relation_tokens = jax.random.normal(ks[1], (E, D), dtype=jnp.float32)
    edge_index = jax.random.randint(ks[2], (2, E), 0, N, dtype=jnp.int32)
    # Learned parameters (torch nn.Linear stores weight as [out, in])
    W_msg = _xavier_uniform(ks[3], (D, D))
    b_msg = jnp.zeros((D,), dtype=jnp.float32)
    W_upd = _xavier_uniform(ks[4], (D, 2 * D))
    b_upd = jnp.zeros((D,), dtype=jnp.float32)
    gamma = jnp.ones((D,), dtype=jnp.float32)
    beta = jnp.zeros((D,), dtype=jnp.float32)
    return {
        "node_tokens": node_tokens,
        "relation_tokens": relation_tokens,
        "edge_index": edge_index,
        "num_nodes": N,
        "W_msg": W_msg,
        "b_msg": b_msg,
        "W_upd": W_upd,
        "b_upd": b_upd,
        "gamma": gamma,
        "beta": beta,
    }


def reference(node_tokens, relation_tokens, edge_index, num_nodes, W_msg, b_msg, W_upd, b_upd, gamma, beta):
    head = edge_index[0]
    tail = edge_index[1]
    num_segments = node_tokens.shape[0]
    # message: gather source nodes, add relation embeddings, project
    msg = jnp.take(node_tokens, head, axis=0) + relation_tokens
    msg = msg @ W_msg.T + b_msg
    # scatter-add aggregation to destination nodes
    agg = jax.ops.segment_sum(msg, tail, num_segments=num_segments)
    deg = jax.ops.segment_sum(jnp.ones((tail.shape[0],), dtype=node_tokens.dtype), tail, num_segments=num_segments)
    agg = agg / jnp.clip(deg, 1.0, None)[:, None]
    # update
    update_in = jnp.concatenate((node_tokens, agg), axis=-1)
    update = update_in @ W_upd.T + b_upd
    out = node_tokens + jax.nn.gelu(update, approximate=False)  # dropout=0.0 -> identity
    # LayerNorm (eps=1e-5, biased variance)
    mean = jnp.mean(out, axis=-1, keepdims=True)
    var = jnp.var(out, axis=-1, keepdims=True)
    normed = (out - mean) / jnp.sqrt(var + 1e-5)
    num_nodes = jnp.asarray(num_nodes)
    return normed * gamma + beta + (num_nodes - num_nodes).astype(normed.dtype)

if __name__ == "__main__":
    import jax
    _d = setup_inputs()
    print(jax.jit(kernel)(*tuple(_d.values())))

</pallas_src>

<mosaic_0001>
#map = affine_map<(d0, d1) -> (0)>
#map1 = affine_map<(d0, d1) -> (0, 0)>
#map2 = affine_map<(d0, d1) -> (0, 0, 0)>
module attributes {stable_mosaic.version = 14 : i64} {
  func.func @sc_kernel(%arg0: i32, %arg1: i32, %arg2: memref<320000xi32, #tpu.memory_space<hbm>>, %arg3: memref<320000xi32, #tpu.memory_space<hbm>>, %arg4: memref<10000x128xf32, #tpu.memory_space<hbm>>, %arg5: memref<320000x128xf32, #tpu.memory_space<hbm>>, %arg6: memref<10000x128xf32, #tpu.memory_space<hbm>>, %arg7: memref<10000xf32, #tpu.memory_space<hbm>>, %arg8: memref<40xf32, #tpu.memory_space<hbm>>, %arg9: memref<2x10000x128xf32, #tpu.memory_space<hbm>>, %arg10: memref<2x10000xf32, #tpu.memory_space<hbm>>, %arg11: memref<40xi32, #tpu.memory_space<vmem>>, %arg12: memref<40xi32, #tpu.memory_space<vmem>>, %arg13: memref<40xi32, #tpu.memory_space<vmem>>, %arg14: memref<40xi32, #tpu.memory_space<vmem>>, %arg15: memref<40xi32, #tpu.memory_space<vmem>>, %arg16: memref<40xi32, #tpu.memory_space<vmem>>, %arg17: memref<40xi32, #tpu.memory_space<vmem>>, %arg18: memref<40xi32, #tpu.memory_space<vmem>>, %arg19: memref<40x128xf32, #tpu.memory_space<vmem>>, %arg20: memref<40x128xf32, #tpu.memory_space<vmem>>, %arg21: memref<40x128xf32, #tpu.memory_space<vmem>>, %arg22: memref<40x128xf32, #tpu.memory_space<vmem>>, %arg23: memref<40x128xf32, #tpu.memory_space<vmem>>, %arg24: memref<40x128xf32, #tpu.memory_space<vmem>>, %arg25: memref<40x128xf32, #tpu.memory_space<vmem>>, %arg26: memref<40x128xf32, #tpu.memory_space<vmem>>, %arg27: memref<40xf32, #tpu.memory_space<vmem>>, %arg28: memref<10000x128xf32, #tpu.memory_space<vmem_shared>>, %arg29: memref<10000xf32, #tpu.memory_space<vmem_shared>>, %arg30: memref<!tpu.dma_semaphore, #tpu.memory_space<semaphore_mem>>, %arg31: memref<!tpu.dma_semaphore, #tpu.memory_space<semaphore_mem>>, %arg32: memref<!tpu.dma_semaphore, #tpu.memory_space<semaphore_mem>>, %arg33: memref<!tpu.dma_semaphore, #tpu.memory_space<semaphore_mem>>, %arg34: memref<!tpu.dma_semaphore, #tpu.memory_space<semaphore_mem>>, %arg35: memref<!tpu.dma_semaphore, #tpu.memory_space<semaphore_mem>>, %arg36: memref<!tpu.dma_semaphore, #tpu.memory_space<semaphore_mem>>, %arg37: memref<!tpu.dma_semaphore, #tpu.memory_space<semaphore_mem>>, %arg38: memref<!tpu.dma_semaphore, #tpu.memory_space<semaphore_mem>>, %arg39: memref<!tpu.dma_semaphore, #tpu.memory_space<semaphore_mem>>, %arg40: memref<!tpu.dma_semaphore, #tpu.memory_space<semaphore_mem>>, %arg41: memref<!tpu.dma_semaphore, #tpu.memory_space<semaphore_mem>>) attributes {dimension_semantics = [#tpu.dimension_semantics<core_parallel>, #tpu.dimension_semantics<subcore_parallel>], iteration_bounds = array<i64: 2, 16>, scalar_prefetch = 0 : i64, scratch_operands = 31 : i64, tpu.core_type = #tpu.core_type<sc_vector_subcore>, window_params = [{transform_indices = #map}, {transform_indices = #map}, {transform_indices = #map1}, {transform_indices = #map1}, {transform_indices = #map1}, {transform_indices = #map}, {transform_indices = #map}, {transform_indices = #map2}, {transform_indices = #map1}]} {
    %lt3A = arith.constant 10 : i32
    %lt3A_0 = arith.cmpi slt, %arg1, %lt3A : i32
    %convert_element_type3A = arith.extui %lt3A_0 : i1 to i32
    %cond3A = arith.constant 0 : i32
    %cond3A_1 = arith.cmpi ne, %convert_element_type3A, %cond3A : i32
    scf.if %cond3A_1 {
      %mul3A_168 = arith.constant 1000 : i32
      %mul3A_169 = arith.muli %arg1, %mul3A_168 : i32
      %mul3A_170 = arith.constant 1000 : i32
      %mul3A_171 = arith.muli %arg1, %mul3A_170 : i32
      "tpu.region"() ({
        %run_scoped3A = tpu.sem_alloc : memref<!tpu.dma_semaphore, #tpu.memory_space<semaphore_mem>>
        %dma_start3A_172 = arith.constant 0 : i32
        %dma_start3A_173 = tpu.memref_slice %arg28[%mul3A_171, %dma_start3A_172] : memref<10000x128xf32, #tpu.memory_space<vmem_shared>> -> memref<1000x128xf32, #tpu.memory_space<vmem_shared>>
        %dma_start3A_174 = arith.constant 0 : i32
        %dma_start3A_175 = tpu.memref_slice %arg6[%mul3A_169, %dma_start3A_174] : memref<10000x128xf32, #tpu.memory_space<hbm>> -> memref<1000x128xf32, #tpu.memory_space<hbm>>
        tpu.enqueue_dma source(%dma_start3A_175 : memref<1000x128xf32, #tpu.memory_space<hbm>>) target(%dma_start3A_173 : memref<1000x128xf32, #tpu.memory_space<vmem_shared>>) target_semaphore(%run_scoped3A : memref<!tpu.dma_semaphore, #tpu.memory_space<semaphore_mem>>)
        %dma_wait3A_176 = arith.constant 0 : i32
        %dma_wait3A_177 = tpu.memref_slice %arg28[%mul3A_171, %dma_wait3A_176] : memref<10000x128xf32, #tpu.memory_space<vmem_shared>> -> memref<1000x128xf32, #tpu.memory_space<vmem_shared>>
        %dma_wait3A_178 = arith.constant 0 : i32
        %dma_wait3A_179 = tpu.memref_slice %arg6[%mul3A_169, %dma_wait3A_178] : memref<10000x128xf32, #tpu.memory_space<hbm>> -> memref<1000x128xf32, #tpu.memory_space<hbm>>
        tpu.wait_dma2 semaphore(%run_scoped3A : memref<!tpu.dma_semaphore, #tpu.memory_space<semaphore_mem>>) src(%dma_wait3A_179 : memref<1000x128xf32, #tpu.memory_space<hbm>>) dst(%dma_wait3A_177 : memref<1000x128xf32, #tpu.memory_space<vmem_shared>>)
        tpu.yield
      }) : () -> ()
    } else {
    }
    %eq3A = arith.constant 0 : i32
    %eq3A_2 = arith.cmpi eq, %arg1, %eq3A : i32
    %convert_element_type3A_3 = arith.extui %eq3A_2 : i1 to i32
    %cond3A_4 = arith.constant 0 : i32
    %cond3A_5 = arith.cmpi ne, %convert_element_type3A_3, %cond3A_4 : i32
    scf.if %cond3A_5 {
      "tpu.region"() ({
        %run_scoped3A = tpu.sem_alloc : memref<!tpu.dma_semaphore, #tpu.memory_space<semaphore_mem>>
        tpu.enqueue_dma source(%arg7 : memref<10000xf32, #tpu.memory_space<hbm>>) target(%arg29 : memref<10000xf32, #tpu.memory_space<vmem_shared>>) target_semaphore(%run_scoped3A : memref<!tpu.dma_semaphore, #tpu.memory_space<semaphore_mem>>)
        tpu.wait_dma2 semaphore(%run_scoped3A : memref<!tpu.dma_semaphore, #tpu.memory_space<semaphore_mem>>) src(%arg7 : memref<10000xf32, #tpu.memory_space<hbm>>) dst(%arg29 : memref<10000xf32, #tpu.memory_space<vmem_shared>>)
        tpu.yield
      }) : () -> ()
    } else {
    }
    "tpu.region"() ({
      %run_scoped3A = tpu.sem_alloc : memref<!tpu.dma_semaphore, #tpu.memory_space<semaphore_mem>>
      tpu.enqueue_dma source(%arg8 : memref<40xf32, #tpu.memory_space<hbm>>) target(%arg27 : memref<40xf32, #tpu.memory_space<vmem>>) target_semaphore(%run_scoped3A : memref<!tpu.dma_semaphore, #tpu.memory_space<semaphore_mem>>)
      tpu.wait_dma2 semaphore(%run_scoped3A : memref<!tpu.dma_semaphore, #tpu.memory_space<semaphore_mem>>) src(%arg8 : memref<40xf32, #tpu.memory_space<hbm>>) dst(%arg27 : memref<40xf32, #tpu.memory_space<vmem>>)
      tpu.yield
    }) : () -> ()
    %barrier3A = arith.constant 0 : index
    tpu.barrier barrier_id(%barrier3A)
    %mul3A = arith.constant 16 : i32
    %mul3A_6 = arith.muli %arg0, %mul3A : i32
    %add3A = arith.addi %mul3A_6, %arg1 : i32
    %mul3A_7 = arith.constant 10000 : i32
    %mul3A_8 = arith.muli %add3A, %mul3A_7 : i32
    %add3A_9 = arith.constant 0 : i32
    %add3A_10 = arith.addi %mul3A_8, %add3A_9 : i32
    %dma_start3A = tpu.memref_slice %arg2[%add3A_10] : memref<320000xi32, #tpu.memory_space<hbm>> -> memref<40xi32, #tpu.memory_space<hbm>>
    %dma_start3A_11 = tpu.memref_slice %arg2[%add3A_10] : memref<320000xi32, #tpu.memory_space<hbm>> -> memref<40xi32, #tpu.memory_space<hbm>>
    tpu.enqueue_dma source(%dma_start3A_11 : memref<40xi32, #tpu.memory_space<hbm>>) target(%arg11 : memref<40xi32, #tpu.memory_space<vmem>>) target_semaphore(%arg30 : memref<!tpu.dma_semaphore, #tpu.memory_space<semaphore_mem>>)
    %dma_start3A_12 = tpu.memref_slice %arg3[%add3A_10] : memref<320000xi32, #tpu.memory_space<hbm>> -> memref<40xi32, #tpu.memory_space<hbm>>
    %dma_start3A_13 = tpu.memref_slice %arg3[%add3A_10] : memref<320000xi32, #tpu.memory_space<hbm>> -> memref<40xi32, #tpu.memory_space<hbm>>
    tpu.enqueue_dma source(%dma_start3A_13 : memref<40xi32, #tpu.memory_space<hbm>>) target(%arg15 : memref<40xi32, #tpu.memory_space<vmem>>) target_semaphore(%arg30 : memref<!tpu.dma_semaphore, #tpu.memory_space<semaphore_mem>>)
    %scan3A = arith.constant 0 : i32
    %scan3A_14 = arith.constant 62 : i32
    %scan3A_15 = arith.addi %scan3A, %scan3A_14 : i32
    %scan3A_16 = arith.constant 1 : i32
    scf.for %scan3A_168 = %scan3A to %scan3A_15 step %scan3A_16  : i32 {
      %mul3A_169 = arith.constant 1 : i32
      %mul3A_170 = arith.muli %scan3A_168, %mul3A_169 : i32
      %add3A_171 = arith.constant 0 : i32
      %add3A_172 = arith.addi %add3A_171, %mul3A_170 : i32
      %mul3A_173 = arith.constant 4 : i32
      %mul3A_174 = arith.muli %add3A_172, %mul3A_173 : i32
      %add3A_175 = arith.constant 0 : i32
      %add3A_176 = arith.addi %mul3A_174, %add3A_175 : i32
      %dma_wait3A_177 = tpu.memref_slice %arg2[%mul3A_8] : memref<320000xi32, #tpu.memory_space<hbm>> -> memref<40xi32, #tpu.memory_space<hbm>>
      %dma_wait3A_178 = tpu.memref_slice %arg2[%mul3A_8] : memref<320000xi32, #tpu.memory_space<hbm>> -> memref<40xi32, #tpu.memory_space<hbm>>
      tpu.wait_dma2 semaphore(%arg30 : memref<!tpu.dma_semaphore, #tpu.memory_space<semaphore_mem>>) src(%dma_wait3A_178 : memref<40xi32, #tpu.memory_space<hbm>>) dst(%arg11 : memref<40xi32, #tpu.memory_space<vmem>>)
      %dma_wait3A_179 = tpu.memref_slice %arg2[%mul3A_8] : memref<320000xi32, #tpu.memory_space<hbm>> -> memref<40xi32, #tpu.memory_space<hbm>>
      %dma_wait3A_180 = tpu.memref_slice %arg2[%mul3A_8] : memref<320000xi32, #tpu.memory_space<hbm>> -> memref<40xi32, #tpu.memory_space<hbm>>
      tpu.wait_dma2 semaphore(%arg30 : memref<!tpu.dma_semaphore, #tpu.memory_space<semaphore_mem>>) src(%dma_wait3A_180 : memref<40xi32, #tpu.memory_space<hbm>>) dst(%arg15 : memref<40xi32, #tpu.memory_space<vmem>>)
      %mul3A_181 = arith.constant 40 : i32
      %mul3A_182 = arith.muli %add3A_176, %mul3A_181 : i32
      %add3A_183 = arith.addi %mul3A_8, %mul3A_182 : i32
      %dma_start3A_184 = arith.constant 0 : i32
      %dma_start3A_185 = arith.constant 0 : i32
      %dma_start3A_186 = tpu.memref_slice %arg4[%dma_start3A_184, %dma_start3A_185] : memref<10000x128xf32, #tpu.memory_space<hbm>> -> memref<10000x128xf32, #tpu.memory_space<hbm>>
      tpu.enqueue_indirect_dma source(%dma_start3A_186 : memref<10000x128xf32, #tpu.memory_space<hbm>>) target(%arg19 : memref<40x128xf32, #tpu.memory_space<vmem>>) offsets(%arg11 : memref<40xi32, #tpu.memory_space<vmem>>) semaphore(%arg34 : memref<!tpu.dma_semaphore, #tpu.memory_space<semaphore_mem>>)
      %dma_start3A_187 = arith.constant 0 : i32
      %dma_start3A_188 = tpu.memref_slice %arg5[%add3A_183, %dma_start3A_187] : memref<320000x128xf32, #tpu.memory_space<hbm>> -> memref<40x128xf32, #tpu.memory_space<hbm>>
      %dma_start3A_189 = arith.constant 0 : i32
      %dma_start3A_190 = tpu.memref_slice %arg5[%add3A_183, %dma_start3A_189] : memref<320000x128xf32, #tpu.memory_space<hbm>> -> memref<40x128xf32, #tpu.memory_space<hbm>>
      tpu.enqueue_dma source(%dma_start3A_190 : memref<40x128xf32, #tpu.memory_space<hbm>>) target(%arg23 : memref<40x128xf32, #tpu.memory_space<vmem>>) target_semaphore(%arg34 : memref<!tpu.dma_semaphore, #tpu.memory_space<semaphore_mem>>)
      %ge3A = arith.constant 3 : i32
      %ge3A_191 = arith.cmpi sge, %add3A_176, %ge3A : i32
      %convert_element_type3A_192 = arith.extui %ge3A_191 : i1 to i32
      %cond3A_193 = arith.constant 0 : i32
      %cond3A_194 = arith.cmpi ne, %convert_element_type3A_192, %cond3A_193 : i32
      scf.if %cond3A_194 {
        %dma_wait3A_312 = arith.constant 0 : i32
        %dma_wait3A_313 = tpu.memref_slice %arg5[%mul3A_8, %dma_wait3A_312] : memref<320000x128xf32, #tpu.memory_space<hbm>> -> memref<40x128xf32, #tpu.memory_space<hbm>>
        %dma_wait3A_314 = arith.constant 0 : i32
        %dma_wait3A_315 = tpu.memref_slice %arg5[%mul3A_8, %dma_wait3A_314] : memref<320000x128xf32, #tpu.memory_space<hbm>> -> memref<40x128xf32, #tpu.memory_space<hbm>>
        tpu.wait_dma2 semaphore(%arg39 : memref<!tpu.dma_semaphore, #tpu.memory_space<semaphore_mem>>) src(%dma_wait3A_315 : memref<40x128xf32, #tpu.memory_space<hbm>>) dst(%arg20 : memref<40x128xf32, #tpu.memory_space<vmem>>)
        %dma_wait3A_316 = arith.constant 0 : i32
        %dma_wait3A_317 = tpu.memref_slice %arg5[%mul3A_8, %dma_wait3A_316] : memref<320000x128xf32, #tpu.memory_space<hbm>> -> memref<40x128xf32, #tpu.memory_space<hbm>>
        %dma_wait3A_318 = arith.constant 0 : i32
        %dma_wait3A_319 = tpu.memref_slice %arg5[%mul3A_8, %dma_wait3A_318] : memref<320000x128xf32, #tpu.memory_space<hbm>> -> memref<40x128xf32, #tpu.memory_space<hbm>>
        tpu.wait_dma2 semaphore(%arg39 : memref<!tpu.dma_semaphore, #tpu.memory_space<semaphore_mem>>) src(%dma_wait3A_319 : memref<40x128xf32, #tpu.memory_space<hbm>>) dst(%arg24 : memref<40x128xf32, #tpu.memory_space<vmem>>)
        %dma_wait3A_320 = arith.constant 0 : i32
        %dma_wait3A_321 = tpu.memref_slice %arg7[%dma_wait3A_320] : memref<10000xf32, #tpu.memory_space<hbm>> -> memref<40xf32, #tpu.memory_space<hbm>>
        %dma_wait3A_322 = arith.constant 0 : i32
        %dma_wait3A_323 = tpu.memref_slice %arg7[%dma_wait3A_322] : memref<10000xf32, #tpu.memory_space<hbm>> -> memref<40xf32, #tpu.memory_space<hbm>>
        tpu.wait_dma2 semaphore(%arg39 : memref<!tpu.dma_semaphore, #tpu.memory_space<semaphore_mem>>) src(%dma_wait3A_323 : memref<40xf32, #tpu.memory_space<hbm>>) dst(%arg27 : memref<40xf32, #tpu.memory_space<vmem>>)
      } else {
      }
      %add3A_195 = arith.constant 1 : i32
      %add3A_196 = arith.addi %add3A_176, %add3A_195 : i32
      %lt3A_197 = arith.constant 250 : i32
      %lt3A_198 = arith.cmpi slt, %add3A_196, %lt3A_197 : i32
      %convert_element_type3A_199 = arith.extui %lt3A_198 : i1 to i32
      %cond3A_200 = arith.constant 0 : i32
      %cond3A_201 = arith.cmpi ne, %convert_element_type3A_199, %cond3A_200 : i32
      scf.if %cond3A_201 {
        %add3A_312 = arith.constant 1 : i32
        %add3A_313 = arith.addi %add3A_176, %add3A_312 : i32
        %mul3A_314 = arith.constant 40 : i32
        %mul3A_315 = arith.muli %add3A_313, %mul3A_314 : i32
        %add3A_316 = arith.addi %mul3A_8, %mul3A_315 : i32
        %dma_start3A_317 = tpu.memref_slice %arg2[%add3A_316] : memref<320000xi32, #tpu.memory_space<hbm>> -> memref<40xi32, #tpu.memory_space<hbm>>
        %dma_start3A_318 = tpu.memref_slice %arg2[%add3A_316] : memref<320000xi32, #tpu.memory_space<hbm>> -> memref<40xi32, #tpu.memory_space<hbm>>
        tpu.enqueue_dma source(%dma_start3A_318 : memref<40xi32, #tpu.memory_space<hbm>>) target(%arg12 : memref<40xi32, #tpu.memory_space<vmem>>) target_semaphore(%arg31 : memref<!tpu.dma_semaphore, #tpu.memory_space<semaphore_mem>>)
        %dma_start3A_319 = tpu.memref_slice %arg3[%add3A_316] : memref<320000xi32, #tpu.memory_space<hbm>> -> memref<40xi32, #tpu.memory_space<hbm>>
        %dma_start3A_320 = tpu.memref_slice %arg3[%add3A_316] : memref<320000xi32, #tpu.memory_space<hbm>> -> memref<40xi32, #tpu.memory_space<hbm>>
        tpu.enqueue_dma source(%dma_start3A_320 : memref<40xi32, #tpu.memory_space<hbm>>) target(%arg16 : memref<40xi32, #tpu.memory_space<vmem>>) target_semaphore(%arg31 : memref<!tpu.dma_semaphore, #tpu.memory_space<semaphore_mem>>)
      } else {
      }
      %ge3A_202 = arith.constant 1 : i32
      %ge3A_203 = arith.cmpi sge, %add3A_176, %ge3A_202 : i32
      %convert_element_type3A_204 = arith.extui %ge3A_203 : i1 to i32
      %cond3A_205 = arith.constant 0 : i32
      %cond3A_206 = arith.cmpi ne, %convert_element_type3A_204, %cond3A_205 : i32
      scf.if %cond3A_206 {
        %dma_wait3A_312 = arith.constant 0 : i32
        %dma_wait3A_313 = tpu.memref_slice %arg5[%mul3A_8, %dma_wait3A_312] : memref<320000x128xf32, #tpu.memory_space<hbm>> -> memref<40x128xf32, #tpu.memory_space<hbm>>
        %dma_wait3A_314 = arith.constant 0 : i32
        %dma_wait3A_315 = tpu.memref_slice %arg5[%mul3A_8, %dma_wait3A_314] : memref<320000x128xf32, #tpu.memory_space<hbm>> -> memref<40x128xf32, #tpu.memory_space<hbm>>
        tpu.wait_dma2 semaphore(%arg37 : memref<!tpu.dma_semaphore, #tpu.memory_space<semaphore_mem>>) src(%dma_wait3A_315 : memref<40x128xf32, #tpu.memory_space<hbm>>) dst(%arg22 : memref<40x128xf32, #tpu.memory_space<vmem>>)
        %dma_wait3A_316 = arith.constant 0 : i32
        %dma_wait3A_317 = tpu.memref_slice %arg5[%mul3A_8, %dma_wait3A_316] : memref<320000x128xf32, #tpu.memory_space<hbm>> -> memref<40x128xf32, #tpu.memory_space<hbm>>
        %dma_wait3A_318 = arith.constant 0 : i32
        %dma_wait3A_319 = tpu.memref_slice %arg5[%mul3A_8, %dma_wait3A_318] : memref<320000x128xf32, #tpu.memory_space<hbm>> -> memref<40x128xf32, #tpu.memory_space<hbm>>
        tpu.wait_dma2 semaphore(%arg37 : memref<!tpu.dma_semaphore, #tpu.memory_space<semaphore_mem>>) src(%dma_wait3A_319 : memref<40x128xf32, #tpu.memory_space<hbm>>) dst(%arg26 : memref<40x128xf32, #tpu.memory_space<vmem>>)
        %dma_start3A_320 = arith.constant 0 : i32
        %dma_start3A_321 = arith.constant 0 : i32
        %dma_start3A_322 = tpu.memref_slice %arg28[%dma_start3A_320, %dma_start3A_321] : memref<10000x128xf32, #tpu.memory_space<vmem_shared>> -> memref<10000x128xf32, #tpu.memory_space<vmem_shared>>
        tpu.enqueue_indirect_dma source(%arg22 : memref<40x128xf32, #tpu.memory_space<vmem>>) target(%dma_start3A_322 : memref<10000x128xf32, #tpu.memory_space<vmem_shared>>) offsets(%arg18 : memref<40xi32, #tpu.memory_space<vmem>>) semaphore(%arg41 : memref<!tpu.dma_semaphore, #tpu.memory_space<semaphore_mem>>) {add = true}
        %dma_start3A_323 = arith.constant 0 : i32
        %dma_start3A_324 = arith.constant 0 : i32
        %dma_start3A_325 = tpu.memref_slice %arg28[%dma_start3A_323, %dma_start3A_324] : memref<10000x128xf32, #tpu.memory_space<vmem_shared>> -> memref<10000x128xf32, #tpu.memory_space<vmem_shared>>
        tpu.enqueue_indirect_dma source(%arg26 : memref<40x128xf32, #tpu.memory_space<vmem>>) target(%dma_start3A_325 : memref<10000x128xf32, #tpu.memory_space<vmem_shared>>) offsets(%arg18 : memref<40xi32, #tpu.memory_space<vmem>>) semaphore(%arg41 : memref<!tpu.dma_semaphore, #tpu.memory_space<semaphore_mem>>) {add = true}
        %dma_start3A_326 = arith.constant 0 : i32
        %dma_start3A_327 = tpu.memref_slice %arg29[%dma_start3A_326] : memref<10000xf32, #tpu.memory_space<vmem_shared>> -> memref<10000xf32, #tpu.memory_space<vmem_shared>>
        tpu.enqueue_indirect_dma source(%arg27 : memref<40xf32, #tpu.memory_space<vmem>>) target(%dma_start3A_327 : memref<10000xf32, #tpu.memory_space<vmem_shared>>) offsets(%arg18 : memref<40xi32, #tpu.memory_space<vmem>>) semaphore(%arg41 : memref<!tpu.dma_semaphore, #tpu.memory_space<semaphore_mem>>) {add = true}
      } else {
      }
      %mul3A_207 = arith.constant 4 : i32
      %mul3A_208 = arith.muli %add3A_172, %mul3A_207 : i32
      %add3A_209 = arith.constant 1 : i32
      %add3A_210 = arith.addi %mul3A_208, %add3A_209 : i32
      %dma_wait3A_211 = tpu.memref_slice %arg2[%mul3A_8] : memref<320000xi32, #tpu.memory_space<hbm>> -> memref<40xi32, #tpu.memory_space<hbm>>
      %dma_wait3A_212 = tpu.memref_slice %arg2[%mul3A_8] : memref<320000xi32, #tpu.memory_space<hbm>> -> memref<40xi32, #tpu.memory_space<hbm>>
      tpu.wait_dma2 semaphore(%arg31 : memref<!tpu.dma_semaphore, #tpu.memory_space<semaphore_mem>>) src(%dma_wait3A_212 : memref<40xi32, #tpu.memory_space<hbm>>) dst(%arg12 : memref<40xi32, #tpu.memory_space<vmem>>)
      %dma_wait3A_213 = tpu.memref_slice %arg2[%mul3A_8] : memref<320000xi32, #tpu.memory_space<hbm>> -> memref<40xi32, #tpu.memory_space<hbm>>
      %dma_wait3A_214 = tpu.memref_slice %arg2[%mul3A_8] : memref<320000xi32, #tpu.memory_space<hbm>> -> memref<40xi32, #tpu.memory_space<hbm>>
      tpu.wait_dma2 semaphore(%arg31 : memref<!tpu.dma_semaphore, #tpu.memory_space<semaphore_mem>>) src(%dma_wait3A_214 : memref<40xi32, #tpu.memory_space<hbm>>) dst(%arg16 : memref<40xi32, #tpu.memory_space<vmem>>)
      %mul3A_215 = arith.constant 40 : i32
      %mul3A_216 = arith.muli %add3A_210, %mul3A_215 : i32
      %add3A_217 = arith.addi %mul3A_8, %mul3A_216 : i32
      %dma_start3A_218 = arith.constant 0 : i32
      %dma_start3A_219 = arith.constant 0 : i32
      %dma_start3A_220 = tpu.memref_slice %arg4[%dma_start3A_218, %dma_start3A_219] : memref<10000x128xf32, #tpu.memory_space<hbm>> -> memref<10000x128xf32, #tpu.memory_space<hbm>>
      tpu.enqueue_indirect_dma source(%dma_start3A_220 : memref<10000x128xf32, #tpu.memory_space<hbm>>) target(%arg20 : memref<40x128xf32, #tpu.memory_space<vmem>>) offsets(%arg12 : memref<40xi32, #tpu.memory_space<vmem>>) semaphore(%arg35 : memref<!tpu.dma_semaphore, #tpu.memory_space<semaphore_mem>>)
      %dma_start3A_221 = arith.constant 0 : i32
      %dma_start3A_222 = tpu.memref_slice %arg5[%add3A_217, %dma_start3A_221] : memref<320000x128xf32, #tpu.memory_space<hbm>> -> memref<40x128xf32, #tpu.memory_space<hbm>>
      %dma_start3A_223 = arith.constant 0 : i32
      %dma_start3A_224 = tpu.memref_slice %arg5[%add3A_217, %dma_start3A_223] : memref<320000x128xf32, #tpu.memory_space<hbm>> -> memref<40x128xf32, #tpu.memory_space<hbm>>
      tpu.enqueue_dma source(%dma_start3A_224 : memref<40x128xf32, #tpu.memory_space<hbm>>) target(%arg24 : memref<40x128xf32, #tpu.memory_space<vmem>>) target_semaphore(%arg35 : memref<!tpu.dma_semaphore, #tpu.memory_space<semaphore_mem>>)
      %ge3A_225 = arith.constant 3 : i32
      %ge3A_226 = arith.cmpi sge, %add3A_210, %ge3A_225 : i32
      %convert_element_type3A_227 = arith.extui %ge3A_226 : i1 to i32
      %cond3A_228 = arith.constant 0 : i32
      %cond3A_229 = arith.cmpi ne, %convert_element_type3A_227, %cond3A_228 : i32
      scf.if %cond3A_229 {
        %dma_wait3A_312 = arith.constant 0 : i32
        %dma_wait3A_313 = tpu.memref_slice %arg5[%mul3A_8, %dma_wait3A_312] : memref<320000x128xf32, #tpu.memory_space<hbm>> -> memref<40x128xf32, #tpu.memory_space<hbm>>
        %dma_wait3A_314 = arith.constant 0 : i32
        %dma_wait3A_315 = tpu.memref_slice %arg5[%mul3A_8, %dma_wait3A_314] : memref<320000x128xf32, #tpu.memory_space<hbm>> -> memref<40x128xf32, #tpu.memory_space<hbm>>
        tpu.wait_dma2 semaphore(%arg40 : memref<!tpu.dma_semaphore, #tpu.memory_space<semaphore_mem>>) src(%dma_wait3A_315 : memref<40x128xf32, #tpu.memory_space<hbm>>) dst(%arg21 : memref<40x128xf32, #tpu.memory_space<vmem>>)
        %dma_wait3A_316 = arith.constant 0 : i32
        %dma_wait3A_317 = tpu.memref_slice %arg5[%mul3A_8, %dma_wait3A_316] : memref<320000x128xf32, #tpu.memory_space<hbm>> -> memref<40x128xf32, #tpu.memory_space<hbm>>
        %dma_wait3A_318 = arith.constant 0 : i32
        %dma_wait3A_319 = tpu.memref_slice %arg5[%mul3A_8, %dma_wait3A_318] : memref<320000x128xf32, #tpu.memory_space<hbm>> -> memref<40x128xf32, #tpu.memory_space<hbm>>
        tpu.wait_dma2 semaphore(%arg40 : memref<!tpu.dma_semaphore, #tpu.memory_space<semaphore_mem>>) src(%dma_wait3A_319 : memref<40x128xf32, #tpu.memory_space<hbm>>) dst(%arg25 : memref<40x128xf32, #tpu.memory_space<vmem>>)
        %dma_wait3A_320 = arith.constant 0 : i32
        %dma_wait3A_321 = tpu.memref_slice %arg7[%dma_wait3A_320] : memref<10000xf32, #tpu.memory_space<hbm>> -> memref<40xf32, #tpu.memory_space<hbm>>
        %dma_wait3A_322 = arith.constant 0 : i32
        %dma_wait3A_323 = tpu.memref_slice %arg7[%dma_wait3A_322] : memref<10000xf32, #tpu.memory_space<hbm>> -> memref<40xf32, #tpu.memory_space<hbm>>
        tpu.wait_dma2 semaphore(%arg40 : memref<!tpu.dma_semaphore, #tpu.memory_space<semaphore_mem>>) src(%dma_wait3A_323 : memref<40xf32, #tpu.memory_space<hbm>>) dst(%arg27 : memref<40xf32, #tpu.memory_space<vmem>>)
      } else {
      }
      %add3A_230 = arith.constant 1 : i32
      %add3A_231 = arith.addi %add3A_210, %add3A_230 : i32
      %lt3A_232 = arith.constant 250 : i32
      %lt3A_233 = arith.cmpi slt, %add3A_231, %lt3A_232 : i32
      %convert_element_type3A_234 = arith.extui %lt3A_233 : i1 to i32
      %cond3A_235 = arith.constant 0 : i32
      %cond3A_236 = arith.cmpi ne, %convert_element_type3A_234, %cond3A_235 : i32
      scf.if %cond3A_236 {
        %add3A_312 = arith.constant 1 : i32
        %add3A_313 = arith.addi %add3A_210, %add3A_312 : i32
        %mul3A_314 = arith.constant 40 : i32
        %mul3A_315 = arith.muli %add3A_313, %mul3A_314 : i32
        %add3A_316 = arith.addi %mul3A_8, %mul3A_315 : i32
        %dma_start3A_317 = tpu.memref_slice %arg2[%add3A_316] : memref<320000xi32, #tpu.memory_space<hbm>> -> memref<40xi32, #tpu.memory_space<hbm>>
        %dma_start3A_318 = tpu.memref_slice %arg2[%add3A_316] : memref<320000xi32, #tpu.memory_space<hbm>> -> memref<40xi32, #tpu.memory_space<hbm>>
        tpu.enqueue_dma source(%dma_start3A_318 : memref<40xi32, #tpu.memory_space<hbm>>) target(%arg13 : memref<40xi32, #tpu.memory_space<vmem>>) target_semaphore(%arg32 : memref<!tpu.dma_semaphore, #tpu.memory_space<semaphore_mem>>)
        %dma_start3A_319 = tpu.memref_slice %arg3[%add3A_316] : memref<320000xi32, #tpu.memory_space<hbm>> -> memref<40xi32, #tpu.memory_space<hbm>>
        %dma_start3A_320 = tpu.memref_slice %arg3[%add3A_316] : memref<320000xi32, #tpu.memory_space<hbm>> -> memref<40xi32, #tpu.memory_space<hbm>>
        tpu.enqueue_dma source(%dma_start3A_320 : memref<40xi32, #tpu.memory_space<hbm>>) target(%arg17 : memref<40xi32, #tpu.memory_space<vmem>>) target_semaphore(%arg32 : memref<!tpu.dma_semaphore, #tpu.memory_space<semaphore_mem>>)
      } else {
      }
      %ge3A_237 = arith.constant 1 : i32
      %ge3A_238 = arith.cmpi sge, %add3A_210, %ge3A_237 : i32
      %convert_element_type3A_239 = arith.extui %ge3A_238 : i1 to i32
      %cond3A_240 = arith.constant 0 : i32
      %cond3A_241 = arith.cmpi ne, %convert_element_type3A_239, %cond3A_240 : i32
      scf.if %cond3A_241 {
        %dma_wait3A_312 = arith.constant 0 : i32
        %dma_wait3A_313 = tpu.memref_slice %arg5[%mul3A_8, %dma_wait3A_312] : memref<320000x128xf32, #tpu.memory_space<hbm>> -> memref<40x128xf32, #tpu.memory_space<hbm>>
        %dma_wait3A_314 = arith.constant 0 : i32
        %dma_wait3A_315 = tpu.memref_slice %arg5[%mul3A_8, %dma_wait3A_314] : memref<320000x128xf32, #tpu.memory_space<hbm>> -> memref<40x128xf32, #tpu.memory_space<hbm>>
        tpu.wait_dma2 semaphore(%arg34 : memref<!tpu.dma_semaphore, #tpu.memory_space<semaphore_mem>>) src(%dma_wait3A_315 : memref<40x128xf32, #tpu.memory_space<hbm>>) dst(%arg19 : memref<40x128xf32, #tpu.memory_space<vmem>>)
        %dma_wait3A_316 = arith.constant 0 : i32
        %dma_wait3A_317 = tpu.memref_slice %arg5[%mul3A_8, %dma_wait3A_316] : memref<320000x128xf32, #tpu.memory_space<hbm>> -> memref<40x128xf32, #tpu.memory_space<hbm>>
        %dma_wait3A_318 = arith.constant 0 : i32
        %dma_wait3A_319 = tpu.memref_slice %arg5[%mul3A_8, %dma_wait3A_318] : memref<320000x128xf32, #tpu.memory_space<hbm>> -> memref<40x128xf32, #tpu.memory_space<hbm>>
        tpu.wait_dma2 semaphore(%arg34 : memref<!tpu.dma_semaphore, #tpu.memory_space<semaphore_mem>>) src(%dma_wait3A_319 : memref<40x128xf32, #tpu.memory_space<hbm>>) dst(%arg23 : memref<40x128xf32, #tpu.memory_space<vmem>>)
        %dma_start3A_320 = arith.constant 0 : i32
        %dma_start3A_321 = arith.constant 0 : i32
        %dma_start3A_322 = tpu.memref_slice %arg28[%dma_start3A_320, %dma_start3A_321] : memref<10000x128xf32, #tpu.memory_space<vmem_shared>> -> memref<10000x128xf32, #tpu.memory_space<vmem_shared>>
        tpu.enqueue_indirect_dma source(%arg19 : memref<40x128xf32, #tpu.memory_space<vmem>>) target(%dma_start3A_322 : memref<10000x128xf32, #tpu.memory_space<vmem_shared>>) offsets(%arg15 : memref<40xi32, #tpu.memory_space<vmem>>) semaphore(%arg38 : memref<!tpu.dma_semaphore, #tpu.memory_space<semaphore_mem>>) {add = true}
        %dma_start3A_323 = arith.constant 0 : i32
        %dma_start3A_324 = arith.constant 0 : i32
        %dma_start3A_325 = tpu.memref_slice %arg28[%dma_start3A_323, %dma_start3A_324] : memref<10000x128xf32, #tpu.memory_space<vmem_shared>> -> memref<10000x128xf32, #tpu.memory_space<vmem_shared>>
        tpu.enqueue_indirect_dma source(%arg23 : memref<40x128xf32, #tpu.memory_space<vmem>>) target(%dma_start3A_325 : memref<10000x128xf32, #tpu.memory_space<vmem_shared>>) offsets(%arg15 : memref<40xi32, #tpu.memory_space<vmem>>) semaphore(%arg38 : memref<!tpu.dma_semaphore, #tpu.memory_space<semaphore_mem>>) {add = true}
        %dma_start3A_326 = arith.constant 0 : i32
        %dma_start3A_327 = tpu.memref_slice %arg29[%dma_start3A_326] : memref<10000xf32, #tpu.memory_space<vmem_shared>> -> memref<10000xf32, #tpu.memory_space<vmem_shared>>
        tpu.enqueue_indirect_dma source(%arg27 : memref<40xf32, #tpu.memory_space<vmem>>) target(%dma_start3A_327 : memref<10000xf32, #tpu.memory_space<vmem_shared>>) offsets(%arg15 : memref<40xi32, #tpu.memory_space<vmem>>) semaphore(%arg38 : memref<!tpu.dma_semaphore, #tpu.memory_space<semaphore_mem>>) {add = true}
      } else {
      }
      %mul3A_242 = arith.constant 4 : i32
      %mul3A_243 = arith.muli %add3A_172, %mul3A_242 : i32
      %add3A_244 = arith.constant 2 : i32
      %add3A_245 = arith.addi %mul3A_243, %add3A_244 : i32
      %dma_wait3A_246 = tpu.memref_slice %arg2[%mul3A_8] : memref<320000xi32, #tpu.memory_space<hbm>> -> memref<40xi32, #tpu.memory_space<hbm>>
      %dma_wait3A_247 = tpu.memref_slice %arg2[%mul3A_8] : memref<320000xi32, #tpu.memory_space<hbm>> -> memref<40xi32, #tpu.memory_space<hbm>>
      tpu.wait_dma2 semaphore(%arg32 : memref<!tpu.dma_semaphore, #tpu.memory_space<semaphore_mem>>) src(%dma_wait3A_247 : memref<40xi32, #tpu.memory_space<hbm>>) dst(%arg13 : memref<40xi32, #tpu.memory_space<vmem>>)
      %dma_wait3A_248 = tpu.memref_slice %arg2[%mul3A_8] : memref<320000xi32, #tpu.memory_space<hbm>> -> memref<40xi32, #tpu.memory_space<hbm>>
      %dma_wait3A_249 = tpu.memref_slice %arg2[%mul3A_8] : memref<320000xi32, #tpu.memory_space<hbm>> -> memref<40xi32, #tpu.memory_space<hbm>>
      tpu.wait_dma2 semaphore(%arg32 : memref<!tpu.dma_semaphore, #tpu.memory_space<semaphore_mem>>) src(%dma_wait3A_249 : memref<40xi32, #tpu.memory_space<hbm>>) dst(%arg17 : memref<40xi32, #tpu.memory_space<vmem>>)
      %mul3A_250 = arith.constant 40 : i32
      %mul3A_251 = arith.muli %add3A_245, %mul3A_250 : i32
      %add3A_252 = arith.addi %mul3A_8, %mul3A_251 : i32
      %dma_start3A_253 = arith.constant 0 : i32
      %dma_start3A_254 = arith.constant 0 : i32
      %dma_start3A_255 = tpu.memref_slice %arg4[%dma_start3A_253, %dma_start3A_254] : memref<10000x128xf32, #tpu.memory_space<hbm>> -> memref<10000x128xf32, #tpu.memory_space<hbm>>
      tpu.enqueue_indirect_dma source(%dma_start3A_255 : memref<10000x128xf32, #tpu.memory_space<hbm>>) target(%arg21 : memref<40x128xf32, #tpu.memory_space<vmem>>) offsets(%arg13 : memref<40xi32, #tpu.memory_space<vmem>>) semaphore(%arg36 : memref<!tpu.dma_semaphore, #tpu.memory_space<semaphore_mem>>)
      %dma_start3A_256 = arith.constant 0 : i32
      %dma_start3A_257 = tpu.memref_slice %arg5[%add3A_252, %dma_start3A_256] : memref<320000x128xf32, #tpu.memory_space<hbm>> -> memref<40x128xf32, #tpu.memory_space<hbm>>
      %dma_start3A_258 = arith.constant 0 : i32
      %dma_start3A_259 = tpu.memref_slice %arg5[%add3A_252, %dma_start3A_258] : memref<320000x128xf32, #tpu.memory_space<hbm>> -> memref<40x128xf32, #tpu.memory_space<hbm>>
      tpu.enqueue_dma source(%dma_start3A_259 : memref<40x128xf32, #tpu.memory_space<hbm>>) target(%arg25 : memref<40x128xf32, #tpu.memory_space<vmem>>) target_semaphore(%arg36 : memref<!tpu.dma_semaphore, #tpu.memory_space<semaphore_mem>>)
      %ge3A_260 = arith.constant 3 : i32
      %ge3A_261 = arith.cmpi sge, %add3A_245, %ge3A_260 : i32
      %convert_element_type3A_262 = arith.extui %ge3A_261 : i1 to i32
      %cond3A_263 = arith.constant 0 : i32
      %cond3A_264 = arith.cmpi ne, %convert_element_type3A_262, %cond3A_263 : i32
      scf.if %cond3A_264 {
        %dma_wait3A_312 = arith.constant 0 : i32
        %dma_wait3A_313 = tpu.memref_slice %arg5[%mul3A_8, %dma_wait3A_312] : memref<320000x128xf32, #tpu.memory_space<hbm>> -> memref<40x128xf32, #tpu.memory_space<hbm>>
        %dma_wait3A_314 = arith.constant 0 : i32
        %dma_wait3A_315 = tpu.memref_slice %arg5[%mul3A_8, %dma_wait3A_314] : memref<320000x128xf32, #tpu.memory_space<hbm>> -> memref<40x128xf32, #tpu.memory_space<hbm>>
        tpu.wait_dma2 semaphore(%arg41 : memref<!tpu.dma_semaphore, #tpu.memory_space<semaphore_mem>>) src(%dma_wait3A_315 : memref<40x128xf32, #tpu.memory_space<hbm>>) dst(%arg22 : memref<40x128xf32, #tpu.memory_space<vmem>>)
        %dma_wait3A_316 = arith.constant 0 : i32
        %dma_wait3A_317 = tpu.memref_slice %arg5[%mul3A_8, %dma_wait3A_316] : memref<320000x128xf32, #tpu.memory_space<hbm>> -> memref<40x128xf32, #tpu.memory_space<hbm>>
        %dma_wait3A_318 = arith.constant 0 : i32
        %dma_wait3A_319 = tpu.memref_slice %arg5[%mul3A_8, %dma_wait3A_318] : memref<320000x128xf32, #tpu.memory_space<hbm>> -> memref<40x128xf32, #tpu.memory_space<hbm>>
        tpu.wait_dma2 semaphore(%arg41 : memref<!tpu.dma_semaphore, #tpu.memory_space<semaphore_mem>>) src(%dma_wait3A_319 : memref<40x128xf32, #tpu.memory_space<hbm>>) dst(%arg26 : memref<40x128xf32, #tpu.memory_space<vmem>>)
        %dma_wait3A_320 = arith.constant 0 : i32
        %dma_wait3A_321 = tpu.memref_slice %arg7[%dma_wait3A_320] : memref<10000xf32, #tpu.memory_space<hbm>> -> memref<40xf32, #tpu.memory_space<hbm>>
        %dma_wait3A_322 = arith.constant 0 : i32
        %dma_wait3A_323 = tpu.memref_slice %arg7[%dma_wait3A_322] : memref<10000xf32, #tpu.memory_space<hbm>> -> memref<40xf32, #tpu.memory_space<hbm>>
        tpu.wait_dma2 semaphore(%arg41 : memref<!tpu.dma_semaphore, #tpu.memory_space<semaphore_mem>>) src(%dma_wait3A_323 : memref<40xf32, #tpu.memory_space<hbm>>) dst(%arg27 : memref<40xf32, #tpu.memory_space<vmem>>)
      } else {
      }
      %add3A_265 = arith.constant 1 : i32
      %add3A_266 = arith.addi %add3A_245, %add3A_265 : i32
      %lt3A_267 = arith.constant 250 : i32
      %lt3A_268 = arith.cmpi slt, %add3A_266, %lt3A_267 : i32
      %convert_element_type3A_269 = arith.extui %lt3A_268 : i1 to i32
      %cond3A_270 = arith.constant 0 : i32
      %cond3A_271 = arith.cmpi ne, %convert_element_type3A_269, %cond3A_270 : i32
      scf.if %cond3A_271 {
        %add3A_312 = arith.constant 1 : i32
        %add3A_313 = arith.addi %add3A_245, %add3A_312 : i32
        %mul3A_314 = arith.constant 40 : i32
        %mul3A_315 = arith.muli %add3A_313, %mul3A_314 : i32
        %add3A_316 = arith.addi %mul3A_8, %mul3A_315 : i32
        %dma_start3A_317 = tpu.memref_slice %arg2[%add3A_316] : memref<320000xi32, #tpu.memory_space<hbm>> -> memref<40xi32, #tpu.memory_space<hbm>>
        %dma_start3A_318 = tpu.memref_slice %arg2[%add3A_316] : memref<320000xi32, #tpu.memory_space<hbm>> -> memref<40xi32, #tpu.memory_space<hbm>>
        tpu.enqueue_dma source(%dma_start3A_318 : memref<40xi32, #tpu.memory_space<hbm>>) target(%arg14 : memref<40xi32, #tpu.memory_space<vmem>>) target_semaphore(%arg33 : memref<!tpu.dma_semaphore, #tpu.memory_space<semaphore_mem>>)
        %dma_start3A_319 = tpu.memref_slice %arg3[%add3A_316] : memref<320000xi32, #tpu.memory_space<hbm>> -> memref<40xi32, #tpu.memory_space<hbm>>
        %dma_start3A_320 = tpu.memref_slice %arg3[%add3A_316] : memref<320000xi32, #tpu.memory_space<hbm>> -> memref<40xi32, #tpu.memory_space<hbm>>
        tpu.enqueue_dma source(%dma_start3A_320 : memref<40xi32, #tpu.memory_space<hbm>>) target(%arg18 : memref<40xi32, #tpu.memory_space<vmem>>) target_semaphore(%arg33 : memref<!tpu.dma_semaphore, #tpu.memory_space<semaphore_mem>>)
      } else {
      }
      %ge3A_272 = arith.constant 1 : i32
      %ge3A_273 = arith.cmpi sge, %add3A_245, %ge3A_272 : i32
      %convert_element_type3A_274 = arith.extui %ge3A_273 : i1 to i32
      %cond3A_275 = arith.constant 0 : i32
      %cond3A_276 = arith.cmpi ne, %convert_element_type3A_274, %cond3A_275 : i32
      scf.if %cond3A_276 {
        %dma_wait3A_312 = arith.constant 0 : i32
        %dma_wait3A_313 = tpu.memref_slice %arg5[%mul3A_8, %dma_wait3A_312] : memref<320000x128xf32, #tpu.memory_space<hbm>> -> memref<40x128xf32, #tpu.memory_space<hbm>>
        %dma_wait3A_314 = arith.constant 0 : i32
        %dma_wait3A_315 = tpu.memref_slice %arg5[%mul3A_8, %dma_wait3A_314] : memref<320000x128xf32, #tpu.memory_space<hbm>> -> memref<40x128xf32, #tpu.memory_space<hbm>>
        tpu.wait_dma2 semaphore(%arg35 : memref<!tpu.dma_semaphore, #tpu.memory_space<semaphore_mem>>) src(%dma_wait3A_315 : memref<40x128xf32, #tpu.memory_space<hbm>>) dst(%arg20 : memref<40x128xf32, #tpu.memory_space<vmem>>)
        %dma_wait3A_316 = arith.constant 0 : i32
        %dma_wait3A_317 = tpu.memref_slice %arg5[%mul3A_8, %dma_wait3A_316] : memref<320000x128xf32, #tpu.memory_space<hbm>> -> memref<40x128xf32, #tpu.memory_space<hbm>>
        %dma_wait3A_318 = arith.constant 0 : i32
        %dma_wait3A_319 = tpu.memref_slice %arg5[%mul3A_8, %dma_wait3A_318] : memref<320000x128xf32, #tpu.memory_space<hbm>> -> memref<40x128xf32, #tpu.memory_space<hbm>>
        tpu.wait_dma2 semaphore(%arg35 : memref<!tpu.dma_semaphore, #tpu.memory_space<semaphore_mem>>) src(%dma_wait3A_319 : memref<40x128xf32, #tpu.memory_space<hbm>>) dst(%arg24 : memref<40x128xf32, #tpu.memory_space<vmem>>)
        %dma_start3A_320 = arith.constant 0 : i32
        %dma_start3A_321 = arith.constant 0 : i32
        %dma_start3A_322 = tpu.memref_slice %arg28[%dma_start3A_320, %dma_start3A_321] : memref<10000x128xf32, #tpu.memory_space<vmem_shared>> -> memref<10000x128xf32, #tpu.memory_space<vmem_shared>>
        tpu.enqueue_indirect_dma source(%arg20 : memref<40x128xf32, #tpu.memory_space<vmem>>) target(%dma_start3A_322 : memref<10000x128xf32, #tpu.memory_space<vmem_shared>>) offsets(%arg16 : memref<40xi32, #tpu.memory_space<vmem>>) semaphore(%arg39 : memref<!tpu.dma_semaphore, #tpu.memory_space<semaphore_mem>>) {add = true}
        %dma_start3A_323 = arith.constant 0 : i32
        %dma_start3A_324 = arith.constant 0 : i32
        %dma_start3A_325 = tpu.memref_slice %arg28[%dma_start3A_323, %dma_start3A_324] : memref<10000x128xf32, #tpu.memory_space<vmem_shared>> -> memref<10000x128xf32, #tpu.memory_space<vmem_shared>>
        tpu.enqueue_indirect_dma source(%arg24 : memref<40x128xf32, #tpu.memory_space<vmem>>) target(%dma_start3A_325 : memref<10000x128xf32, #tpu.memory_space<vmem_shared>>) offsets(%arg16 : memref<40xi32, #tpu.memory_space<vmem>>) semaphore(%arg39 : memref<!tpu.dma_semaphore, #tpu.memory_space<semaphore_mem>>) {add = true}
        %dma_start3A_326 = arith.constant 0 : i32
        %dma_start3A_327 = tpu.memref_slice %arg29[%dma_start3A_326] : memref<10000xf32, #tpu.memory_space<vmem_shared>> -> memref<10000xf32, #tpu.memory_space<vmem_shared>>
        tpu.enqueue_indirect_dma source(%arg27 : memref<40xf32, #tpu.memory_space<vmem>>) target(%dma_start3A_327 : memref<10000xf32, #tpu.memory_space<vmem_shared>>) offsets(%arg16 : memref<40xi32, #tpu.memory_space<vmem>>) semaphore(%arg39 : memref<!tpu.dma_semaphore, #tpu.memory_space<semaphore_mem>>) {add = true}
      } else {
      }
      %mul3A_277 = arith.constant 4 : i32
      %mul3A_278 = arith.muli %add3A_172, %mul3A_277 : i32
      %add3A_279 = arith.constant 3 : i32
      %add3A_280 = arith.addi %mul3A_278, %add3A_279 : i32
      %dma_wait3A_281 = tpu.memref_slice %arg2[%mul3A_8] : memref<320000xi32, #tpu.memory_space<hbm>> -> memref<40xi32, #tpu.memory_space<hbm>>
      %dma_wait3A_282 = tpu.memref_slice %arg2[%mul3A_8] : memref<320000xi32, #tpu.memory_space<hbm>> -> memref<40xi32, #tpu.memory_space<hbm>>
      tpu.wait_dma2 semaphore(%arg33 : memref<!tpu.dma_semaphore, #tpu.memory_space<semaphore_mem>>) src(%dma_wait3A_282 : memref<40xi32, #tpu.memory_space<hbm>>) dst(%arg14 : memref<40xi32, #tpu.memory_space<vmem>>)
      %dma_wait3A_283 = tpu.memref_slice %arg2[%mul3A_8] : memref<320000xi32, #tpu.memory_space<hbm>> -> memref<40xi32, #tpu.memory_space<hbm>>
      %dma_wait3A_284 = tpu.memref_slice %arg2[%mul3A_8] : memref<320000xi32, #tpu.memory_space<hbm>> -> memref<40xi32, #tpu.memory_space<hbm>>
      tpu.wait_dma2 semaphore(%arg33 : memref<!tpu.dma_semaphore, #tpu.memory_space<semaphore_mem>>) src(%dma_wait3A_284 : memref<40xi32, #tpu.memory_space<hbm>>) dst(%arg18 : memref<40xi32, #tpu.memory_space<vmem>>)
      %mul3A_285 = arith.constant 40 : i32
      %mul3A_286 = arith.muli %add3A_280, %mul3A_285 : i32
      %add3A_287 = arith.addi %mul3A_8, %mul3A_286 : i32
      %dma_start3A_288 = arith.constant 0 : i32
      %dma_start3A_289 = arith.constant 0 : i32
      %dma_start3A_290 = tpu.memref_slice %arg4[%dma_start3A_288, %dma_start3A_289] : memref<10000x128xf32, #tpu.memory_space<hbm>> -> memref<10000x128xf32, #tpu.memory_space<hbm>>
      tpu.enqueue_indirect_dma source(%dma_start3A_290 : memref<10000x128xf32, #tpu.memory_space<hbm>>) target(%arg22 : memref<40x128xf32, #tpu.memory_space<vmem>>) offsets(%arg14 : memref<40xi32, #tpu.memory_space<vmem>>) semaphore(%arg37 : memref<!tpu.dma_semaphore, #tpu.memory_space<semaphore_mem>>)
      %dma_start3A_291 = arith.constant 0 : i32
      %dma_start3A_292 = tpu.memref_slice %arg5[%add3A_287, %dma_start3A_291] : memref<320000x128xf32, #tpu.memory_space<hbm>> -> memref<40x128xf32, #tpu.memory_space<hbm>>
      %dma_start3A_293 = arith.constant 0 : i32
      %dma_start3A_294 = tpu.memref_slice %arg5[%add3A_287, %dma_start3A_293] : memref<320000x128xf32, #tpu.memory_space<hbm>> -> memref<40x128xf32, #tpu.memory_space<hbm>>
      tpu.enqueue_dma source(%dma_start3A_294 : memref<40x128xf32, #tpu.memory_space<hbm>>) target(%arg26 : memref<40x128xf32, #tpu.memory_space<vmem>>) target_semaphore(%arg37 : memref<!tpu.dma_semaphore, #tpu.memory_space<semaphore_mem>>)
      %ge3A_295 = arith.constant 3 : i32
      %ge3A_296 = arith.cmpi sge, %add3A_280, %ge3A_295 : i32
      %convert_element_type3A_297 = arith.extui %ge3A_296 : i1 to i32
      %cond3A_298 = arith.constant 0 : i32
      %cond3A_299 = arith.cmpi ne, %convert_element_type3A_297, %cond3A_298 : i32
      scf.if %cond3A_299 {
        %dma_wait3A_312 = arith.constant 0 : i32
        %dma_wait3A_313 = tpu.memref_slice %arg5[%mul3A_8, %dma_wait3A_312] : memref<320000x128xf32, #tpu.memory_space<hbm>> -> memref<40x128xf32, #tpu.memory_space<hbm>>
        %dma_wait3A_314 = arith.constant 0 : i32
        %dma_wait3A_315 = tpu.memref_slice %arg5[%mul3A_8, %dma_wait3A_314] : memref<320000x128xf32, #tpu.memory_space<hbm>> -> memref<40x128xf32, #tpu.memory_space<hbm>>
        tpu.wait_dma2 semaphore(%arg38 : memref<!tpu.dma_semaphore, #tpu.memory_space<semaphore_mem>>) src(%dma_wait3A_315 : memref<40x128xf32, #tpu.memory_space<hbm>>) dst(%arg19 : memref<40x128xf32, #tpu.memory_space<vmem>>)
        %dma_wait3A_316 = arith.constant 0 : i32
        %dma_wait3A_317 = tpu.memref_slice %arg5[%mul3A_8, %dma_wait3A_316] : memref<320000x128xf32, #tpu.memory_space<hbm>> -> memref<40x128xf32, #tpu.memory_space<hbm>>
        %dma_wait3A_318 = arith.constant 0 : i32
        %dma_wait3A_319 = tpu.memref_slice %arg5[%mul3A_8, %dma_wait3A_318] : memref<320000x128xf32, #tpu.memory_space<hbm>> -> memref<40x128xf32, #tpu.memory_space<hbm>>
        tpu.wait_dma2 semaphore(%arg38 : memref<!tpu.dma_semaphore, #tpu.memory_space<semaphore_mem>>) src(%dma_wait3A_319 : memref<40x128xf32, #tpu.memory_space<hbm>>) dst(%arg23 : memref<40x128xf32, #tpu.memory_space<vmem>>)
        %dma_wait3A_320 = arith.constant 0 : i32
        %dma_wait3A_321 = tpu.memref_slice %arg7[%dma_wait3A_320] : memref<10000xf32, #tpu.memory_space<hbm>> -> memref<40xf32, #tpu.memory_space<hbm>>
        %dma_wait3A_322 = arith.constant 0 : i32
        %dma_wait3A_323 = tpu.memref_slice %arg7[%dma_wait3A_322] : memref<10000xf32, #tpu.memory_space<hbm>> -> memref<40xf32, #tpu.memory_space<hbm>>
        tpu.wait_dma2 semaphore(%arg38 : memref<!tpu.dma_semaphore, #tpu.memory_space<semaphore_mem>>) src(%dma_wait3A_323 : memref<40xf32, #tpu.memory_space<hbm>>) dst(%arg27 : memref<40xf32, #tpu.memory_space<vmem>>)
      } else {
      }
      %add3A_300 = arith.constant 1 : i32
      %add3A_301 = arith.addi %add3A_280, %add3A_300 : i32
      %lt3A_302 = arith.constant 250 : i32
      %lt3A_303 = arith.cmpi slt, %add3A_301, %lt3A_302 : i32
      %convert_element_type3A_304 = arith.extui %lt3A_303 : i1 to i32
      %cond3A_305 = arith.constant 0 : i32
      %cond3A_306 = arith.cmpi ne, %convert_element_type3A_304, %cond3A_305 : i32
      scf.if %cond3A_306 {
        %add3A_312 = arith.constant 1 : i32
        %add3A_313 = arith.addi %add3A_280, %add3A_312 : i32
        %mul3A_314 = arith.constant 40 : i32
        %mul3A_315 = arith.muli %add3A_313, %mul3A_314 : i32
        %add3A_316 = arith.addi %mul3A_8, %mul3A_315 : i32
        %dma_start3A_317 = tpu.memref_slice %arg2[%add3A_316] : memref<320000xi32, #tpu.memory_space<hbm>> -> memref<40xi32, #tpu.memory_space<hbm>>
        %dma_start3A_318 = tpu.memref_slice %arg2[%add3A_316] : memref<320000xi32, #tpu.memory_space<hbm>> -> memref<40xi32, #tpu.memory_space<hbm>>
        tpu.enqueue_dma source(%dma_start3A_318 : memref<40xi32, #tpu.memory_space<hbm>>) target(%arg11 : memref<40xi32, #tpu.memory_space<vmem>>) target_semaphore(%arg30 : memref<!tpu.dma_semaphore, #tpu.memory_space<semaphore_mem>>)
        %dma_start3A_319 = tpu.memref_slice %arg3[%add3A_316] : memref<320000xi32, #tpu.memory_space<hbm>> -> memref<40xi32, #tpu.memory_space<hbm>>
        %dma_start3A_320 = tpu.memref_slice %arg3[%add3A_316] : memref<320000xi32, #tpu.memory_space<hbm>> -> memref<40xi32, #tpu.memory_space<hbm>>
        tpu.enqueue_dma source(%dma_start3A_320 : memref<40xi32, #tpu.memory_space<hbm>>) target(%arg15 : memref<40xi32, #tpu.memory_space<vmem>>) target_semaphore(%arg30 : memref<!tpu.dma_semaphore, #tpu.memory_space<semaphore_mem>>)
      } else {
      }
      %ge3A_307 = arith.constant 1 : i32
      %ge3A_308 = arith.cmpi sge, %add3A_280, %ge3A_307 : i32
      %convert_element_type3A_309 = arith.extui %ge3A_308 : i1 to i32
      %cond3A_310 = arith.constant 0 : i32
      %cond3A_311 = arith.cmpi ne, %convert_element_type3A_309, %cond3A_310 : i32
      scf.if %cond3A_311 {
        %dma_wait3A_312 = arith.constant 0 : i32
        %dma_wait3A_313 = tpu.memref_slice %arg5[%mul3A_8, %dma_wait3A_312] : memref<320000x128xf32, #tpu.memory_space<hbm>> -> memref<40x128xf32, #tpu.memory_space<hbm>>
        %dma_wait3A_314 = arith.constant 0 : i32
        %dma_wait3A_315 = tpu.memref_slice %arg5[%mul3A_8, %dma_wait3A_314] : memref<320000x128xf32, #tpu.memory_space<hbm>> -> memref<40x128xf32, #tpu.memory_space<hbm>>
        tpu.wait_dma2 semaphore(%arg36 : memref<!tpu.dma_semaphore, #tpu.memory_space<semaphore_mem>>) src(%dma_wait3A_315 : memref<40x128xf32, #tpu.memory_space<hbm>>) dst(%arg21 : memref<40x128xf32, #tpu.memory_space<vmem>>)
        %dma_wait3A_316 = arith.constant 0 : i32
        %dma_wait3A_317 = tpu.memref_slice %arg5[%mul3A_8, %dma_wait3A_316] : memref<320000x128xf32, #tpu.memory_space<hbm>> -> memref<40x128xf32, #tpu.memory_space<hbm>>
        %dma_wait3A_318 = arith.constant 0 : i32
        %dma_wait3A_319 = tpu.memref_slice %arg5[%mul3A_8, %dma_wait3A_318] : memref<320000x128xf32, #tpu.memory_space<hbm>> -> memref<40x128xf32, #tpu.memory_space<hbm>>
        tpu.wait_dma2 semaphore(%arg36 : memref<!tpu.dma_semaphore, #tpu.memory_space<semaphore_mem>>) src(%dma_wait3A_319 : memref<40x128xf32, #tpu.memory_space<hbm>>) dst(%arg25 : memref<40x128xf32, #tpu.memory_space<vmem>>)
        %dma_start3A_320 = arith.constant 0 : i32
        %dma_start3A_321 = arith.constant 0 : i32
        %dma_start3A_322 = tpu.memref_slice %arg28[%dma_start3A_320, %dma_start3A_321] : memref<10000x128xf32, #tpu.memory_space<vmem_shared>> -> memref<10000x128xf32, #tpu.memory_space<vmem_shared>>
        tpu.enqueue_indirect_dma source(%arg21 : memref<40x128xf32, #tpu.memory_space<vmem>>) target(%dma_start3A_322 : memref<10000x128xf32, #tpu.memory_space<vmem_shared>>) offsets(%arg17 : memref<40xi32, #tpu.memory_space<vmem>>) semaphore(%arg40 : memref<!tpu.dma_semaphore, #tpu.memory_space<semaphore_mem>>) {add = true}
        %dma_start3A_323 = arith.constant 0 : i32
        %dma_start3A_324 = arith.constant 0 : i32
        %dma_start3A_325 = tpu.memref_slice %arg28[%dma_start3A_323, %dma_start3A_324] : memref<10000x128xf32, #tpu.memory_space<vmem_shared>> -> memref<10000x128xf32, #tpu.memory_space<vmem_shared>>
        tpu.enqueue_indirect_dma source(%arg25 : memref<40x128xf32, #tpu.memory_space<vmem>>) target(%dma_start3A_325 : memref<10000x128xf32, #tpu.memory_space<vmem_shared>>) offsets(%arg17 : memref<40xi32, #tpu.memory_space<vmem>>) semaphore(%arg40 : memref<!tpu.dma_semaphore, #tpu.memory_space<semaphore_mem>>) {add = true}
        %dma_start3A_326 = arith.constant 0 : i32
        %dma_start3A_327 = tpu.memref_slice %arg29[%dma_start3A_326] : memref<10000xf32, #tpu.memory_space<vmem_shared>> -> memref<10000xf32, #tpu.memory_space<vmem_shared>>
        tpu.enqueue_indirect_dma source(%arg27 : memref<40xf32, #tpu.memory_space<vmem>>) target(%dma_start3A_327 : memref<10000xf32, #tpu.memory_space<vmem_shared>>) offsets(%arg17 : memref<40xi32, #tpu.memory_space<vmem>>) semaphore(%arg40 : memref<!tpu.dma_semaphore, #tpu.memory_space<semaphore_mem>>) {add = true}
      } else {
      }
    }
    %scan3A_17 = arith.constant 62 : i32
    %dma_wait3A = tpu.memref_slice %arg2[%mul3A_8] : memref<320000xi32, #tpu.memory_space<hbm>> -> memref<40xi32, #tpu.memory_space<hbm>>
    %dma_wait3A_18 = tpu.memref_slice %arg2[%mul3A_8] : memref<320000xi32, #tpu.memory_space<hbm>> -> memref<40xi32, #tpu.memory_space<hbm>>
    tpu.wait_dma2 semaphore(%arg30 : memref<!tpu.dma_semaphore, #tpu.memory_space<semaphore_mem>>) src(%dma_wait3A_18 : memref<40xi32, #tpu.memory_space<hbm>>) dst(%arg11 : memref<40xi32, #tpu.memory_space<vmem>>)
    %dma_wait3A_19 = tpu.memref_slice %arg2[%mul3A_8] : memref<320000xi32, #tpu.memory_space<hbm>> -> memref<40xi32, #tpu.memory_space<hbm>>
    %dma_wait3A_20 = tpu.memref_slice %arg2[%mul3A_8] : memref<320000xi32, #tpu.memory_space<hbm>> -> memref<40xi32, #tpu.memory_space<hbm>>
    tpu.wait_dma2 semaphore(%arg30 : memref<!tpu.dma_semaphore, #tpu.memory_space<semaphore_mem>>) src(%dma_wait3A_20 : memref<40xi32, #tpu.memory_space<hbm>>) dst(%arg15 : memref<40xi32, #tpu.memory_space<vmem>>)
    %add3A_21 = arith.constant 9920 : i32
    %add3A_22 = arith.addi %mul3A_8, %add3A_21 : i32
    %dma_start3A_23 = arith.constant 0 : i32
    %dma_start3A_24 = arith.constant 0 : i32
    %dma_start3A_25 = tpu.memref_slice %arg4[%dma_start3A_23, %dma_start3A_24] : memref<10000x128xf32, #tpu.memory_space<hbm>> -> memref<10000x128xf32, #tpu.memory_space<hbm>>
    tpu.enqueue_indirect_dma source(%dma_start3A_25 : memref<10000x128xf32, #tpu.memory_space<hbm>>) target(%arg19 : memref<40x128xf32, #tpu.memory_space<vmem>>) offsets(%arg11 : memref<40xi32, #tpu.memory_space<vmem>>) semaphore(%arg34 : memref<!tpu.dma_semaphore, #tpu.memory_space<semaphore_mem>>)
    %dma_start3A_26 = arith.constant 0 : i32
    %dma_start3A_27 = tpu.memref_slice %arg5[%add3A_22, %dma_start3A_26] : memref<320000x128xf32, #tpu.memory_space<hbm>> -> memref<40x128xf32, #tpu.memory_space<hbm>>
    %dma_start3A_28 = arith.constant 0 : i32
    %dma_start3A_29 = tpu.memref_slice %arg5[%add3A_22, %dma_start3A_28] : memref<320000x128xf32, #tpu.memory_space<hbm>> -> memref<40x128xf32, #tpu.memory_space<hbm>>
    tpu.enqueue_dma source(%dma_start3A_29 : memref<40x128xf32, #tpu.memory_space<hbm>>) target(%arg23 : memref<40x128xf32, #tpu.memory_space<vmem>>) target_semaphore(%arg34 : memref<!tpu.dma_semaphore, #tpu.memory_space<semaphore_mem>>)
    %dma_wait3A_30 = arith.constant 0 : i32
    %dma_wait3A_31 = tpu.memref_slice %arg5[%mul3A_8, %dma_wait3A_30] : memref<320000x128xf32, #tpu.memory_space<hbm>> -> memref<40x128xf32, #tpu.memory_space<hbm>>
    %dma_wait3A_32 = arith.constant 0 : i32
    %dma_wait3A_33 = tpu.memref_slice %arg5[%mul3A_8, %dma_wait3A_32] : memref<320000x128xf32, #tpu.memory_space<hbm>> -> memref<40x128xf32, #tpu.memory_space<hbm>>
    tpu.wait_dma2 semaphore(%arg39 : memref<!tpu.dma_semaphore, #tpu.memory_space<semaphore_mem>>) src(%dma_wait3A_33 : memref<40x128xf32, #tpu.memory_space<hbm>>) dst(%arg20 : memref<40x128xf32, #tpu.memory_space<vmem>>)
    %dma_wait3A_34 = arith.constant 0 : i32
    %dma_wait3A_35 = tpu.memref_slice %arg5[%mul3A_8, %dma_wait3A_34] : memref<320000x128xf32, #tpu.memory_space<hbm>> -> memref<40x128xf32, #tpu.memory_space<hbm>>
    %dma_wait3A_36 = arith.constant 0 : i32
    %dma_wait3A_37 = tpu.memref_slice %arg5[%mul3A_8, %dma_wait3A_36] : memref<320000x128xf32, #tpu.memory_space<hbm>> -> memref<40x128xf32, #tpu.memory_space<hbm>>
    tpu.wait_dma2 semaphore(%arg39 : memref<!tpu.dma_semaphore, #tpu.memory_space<semaphore_mem>>) src(%dma_wait3A_37 : memref<40x128xf32, #tpu.memory_space<hbm>>) dst(%arg24 : memref<40x128xf32, #tpu.memory_space<vmem>>)
    %dma_wait3A_38 = arith.constant 0 : i32
    %dma_wait3A_39 = tpu.memref_slice %arg7[%dma_wait3A_38] : memref<10000xf32, #tpu.memory_space<hbm>> -> memref<40xf32, #tpu.memory_space<hbm>>
    %dma_wait3A_40 = arith.constant 0 : i32
    %dma_wait3A_41 = tpu.memref_slice %arg7[%dma_wait3A_40] : memref<10000xf32, #tpu.memory_space<hbm>> -> memref<40xf32, #tpu.memory_space<hbm>>
    tpu.wait_dma2 semaphore(%arg39 : memref<!tpu.dma_semaphore, #tpu.memory_space<semaphore_mem>>) src(%dma_wait3A_41 : memref<40xf32, #tpu.memory_space<hbm>>) dst(%arg27 : memref<40xf32, #tpu.memory_space<vmem>>)
    %add3A_42 = arith.constant 9960 : i32
    %add3A_43 = arith.addi %mul3A_8, %add3A_42 : i32
    %dma_start3A_44 = tpu.memref_slice %arg2[%add3A_43] : memref<320000xi32, #tpu.memory_space<hbm>> -> memref<40xi32, #tpu.memory_space<hbm>>
    %dma_start3A_45 = tpu.memref_slice %arg2[%add3A_43] : memref<320000xi32, #tpu.memory_space<hbm>> -> memref<40xi32, #tpu.memory_space<hbm>>
    tpu.enqueue_dma source(%dma_start3A_45 : memref<40xi32, #tpu.memory_space<hbm>>) target(%arg12 : memref<40xi32, #tpu.memory_space<vmem>>) target_semaphore(%arg31 : memref<!tpu.dma_semaphore, #tpu.memory_space<semaphore_mem>>)
    %dma_start3A_46 = tpu.memref_slice %arg3[%add3A_43] : memref<320000xi32, #tpu.memory_space<hbm>> -> memref<40xi32, #tpu.memory_space<hbm>>
    %dma_start3A_47 = tpu.memref_slice %arg3[%add3A_43] : memref<320000xi32, #tpu.memory_space<hbm>> -> memref<40xi32, #tpu.memory_space<hbm>>
    tpu.enqueue_dma source(%dma_start3A_47 : memref<40xi32, #tpu.memory_space<hbm>>) target(%arg16 : memref<40xi32, #tpu.memory_space<vmem>>) target_semaphore(%arg31 : memref<!tpu.dma_semaphore, #tpu.memory_space<semaphore_mem>>)
    %dma_wait3A_48 = arith.constant 0 : i32
    %dma_wait3A_49 = tpu.memref_slice %arg5[%mul3A_8, %dma_wait3A_48] : memref<320000x128xf32, #tpu.memory_space<hbm>> -> memref<40x128xf32, #tpu.memory_space<hbm>>
    %dma_wait3A_50 = arith.constant 0 : i32
    %dma_wait3A_51 = tpu.memref_slice %arg5[%mul3A_8, %dma_wait3A_50] : memref<320000x128xf32, #tpu.memory_space<hbm>> -> memref<40x128xf32, #tpu.memory_space<hbm>>
    tpu.wait_dma2 semaphore(%arg37 : memref<!tpu.dma_semaphore, #tpu.memory_space<semaphore_mem>>) src(%dma_wait3A_51 : memref<40x128xf32, #tpu.memory_space<hbm>>) dst(%arg22 : memref<40x128xf32, #tpu.memory_space<vmem>>)
    %dma_wait3A_52 = arith.constant 0 : i32
    %dma_wait3A_53 = tpu.memref_slice %arg5[%mul3A_8, %dma_wait3A_52] : memref<320000x128xf32, #tpu.memory_space<hbm>> -> memref<40x128xf32, #tpu.memory_space<hbm>>
    %dma_wait3A_54 = arith.constant 0 : i32
    %dma_wait3A_55 = tpu.memref_slice %arg5[%mul3A_8, %dma_wait3A_54] : memref<320000x128xf32, #tpu.memory_space<hbm>> -> memref<40x128xf32, #tpu.memory_space<hbm>>
    tpu.wait_dma2 semaphore(%arg37 : memref<!tpu.dma_semaphore, #tpu.memory_space<semaphore_mem>>) src(%dma_wait3A_55 : memref<40x128xf32, #tpu.memory_space<hbm>>) dst(%arg26 : memref<40x128xf32, #tpu.memory_space<vmem>>)
    %dma_start3A_56 = arith.constant 0 : i32
    %dma_start3A_57 = arith.constant 0 : i32
    %dma_start3A_58 = tpu.memref_slice %arg28[%dma_start3A_56, %dma_start3A_57] : memref<10000x128xf32, #tpu.memory_space<vmem_shared>> -> memref<10000x128xf32, #tpu.memory_space<vmem_shared>>
    tpu.enqueue_indirect_dma source(%arg22 : memref<40x128xf32, #tpu.memory_space<vmem>>) target(%dma_start3A_58 : memref<10000x128xf32, #tpu.memory_space<vmem_shared>>) offsets(%arg18 : memref<40xi32, #tpu.memory_space<vmem>>) semaphore(%arg41 : memref<!tpu.dma_semaphore, #tpu.memory_space<semaphore_mem>>) {add = true}
    %dma_start3A_59 = arith.constant 0 : i32
    %dma_start3A_60 = arith.constant 0 : i32
    %dma_start3A_61 = tpu.memref_slice %arg28[%dma_start3A_59, %dma_start3A_60] : memref<10000x128xf32, #tpu.memory_space<vmem_shared>> -> memref<10000x128xf32, #tpu.memory_space<vmem_shared>>
    tpu.enqueue_indirect_dma source(%arg26 : memref<40x128xf32, #tpu.memory_space<vmem>>) target(%dma_start3A_61 : memref<10000x128xf32, #tpu.memory_space<vmem_shared>>) offsets(%arg18 : memref<40xi32, #tpu.memory_space<vmem>>) semaphore(%arg41 : memref<!tpu.dma_semaphore, #tpu.memory_space<semaphore_mem>>) {add = true}
    %dma_start3A_62 = arith.constant 0 : i32
    %dma_start3A_63 = tpu.memref_slice %arg29[%dma_start3A_62] : memref<10000xf32, #tpu.memory_space<vmem_shared>> -> memref<10000xf32, #tpu.memory_space<vmem_shared>>
    tpu.enqueue_indirect_dma source(%arg27 : memref<40xf32, #tpu.memory_space<vmem>>) target(%dma_start3A_63 : memref<10000xf32, #tpu.memory_space<vmem_shared>>) offsets(%arg18 : memref<40xi32, #tpu.memory_space<vmem>>) semaphore(%arg41 : memref<!tpu.dma_semaphore, #tpu.memory_space<semaphore_mem>>) {add = true}
    %dma_wait3A_64 = tpu.memref_slice %arg2[%mul3A_8] : memref<320000xi32, #tpu.memory_space<hbm>> -> memref<40xi32, #tpu.memory_space<hbm>>
    %dma_wait3A_65 = tpu.memref_slice %arg2[%mul3A_8] : memref<320000xi32, #tpu.memory_space<hbm>> -> memref<40xi32, #tpu.memory_space<hbm>>
    tpu.wait_dma2 semaphore(%arg31 : memref<!tpu.dma_semaphore, #tpu.memory_space<semaphore_mem>>) src(%dma_wait3A_65 : memref<40xi32, #tpu.memory_space<hbm>>) dst(%arg12 : memref<40xi32, #tpu.memory_space<vmem>>)
    %dma_wait3A_66 = tpu.memref_slice %arg2[%mul3A_8] : memref<320000xi32, #tpu.memory_space<hbm>> -> memref<40xi32, #tpu.memory_space<hbm>>
    %dma_wait3A_67 = tpu.memref_slice %arg2[%mul3A_8] : memref<320000xi32, #tpu.memory_space<hbm>> -> memref<40xi32, #tpu.memory_space<hbm>>
    tpu.wait_dma2 semaphore(%arg31 : memref<!tpu.dma_semaphore, #tpu.memory_space<semaphore_mem>>) src(%dma_wait3A_67 : memref<40xi32, #tpu.memory_space<hbm>>) dst(%arg16 : memref<40xi32, #tpu.memory_space<vmem>>)
    %add3A_68 = arith.constant 9960 : i32
    %add3A_69 = arith.addi %mul3A_8, %add3A_68 : i32
    %dma_start3A_70 = arith.constant 0 : i32
    %dma_start3A_71 = arith.constant 0 : i32
    %dma_start3A_72 = tpu.memref_slice %arg4[%dma_start3A_70, %dma_start3A_71] : memref<10000x128xf32, #tpu.memory_space<hbm>> -> memref<10000x128xf32, #tpu.memory_space<hbm>>
    tpu.enqueue_indirect_dma source(%dma_start3A_72 : memref<10000x128xf32, #tpu.memory_space<hbm>>) target(%arg20 : memref<40x128xf32, #tpu.memory_space<vmem>>) offsets(%arg12 : memref<40xi32, #tpu.memory_space<vmem>>) semaphore(%arg35 : memref<!tpu.dma_semaphore, #tpu.memory_space<semaphore_mem>>)
    %dma_start3A_73 = arith.constant 0 : i32
    %dma_start3A_74 = tpu.memref_slice %arg5[%add3A_69, %dma_start3A_73] : memref<320000x128xf32, #tpu.memory_space<hbm>> -> memref<40x128xf32, #tpu.memory_space<hbm>>
    %dma_start3A_75 = arith.constant 0 : i32
    %dma_start3A_76 = tpu.memref_slice %arg5[%add3A_69, %dma_start3A_75] : memref<320000x128xf32, #tpu.memory_space<hbm>> -> memref<40x128xf32, #tpu.memory_space<hbm>>
    tpu.enqueue_dma source(%dma_start3A_76 : memref<40x128xf32, #tpu.memory_space<hbm>>) target(%arg24 : memref<40x128xf32, #tpu.memory_space<vmem>>) target_semaphore(%arg35 : memref<!tpu.dma_semaphore, #tpu.memory_space<semaphore_mem>>)
    %dma_wait3A_77 = arith.constant 0 : i32
    %dma_wait3A_78 = tpu.memref_slice %arg5[%mul3A_8, %dma_wait3A_77] : memref<320000x128xf32, #tpu.memory_space<hbm>> -> memref<40x128xf32, #tpu.memory_space<hbm>>
    %dma_wait3A_79 = arith.constant 0 : i32
    %dma_wait3A_80 = tpu.memref_slice %arg5[%mul3A_8, %dma_wait3A_79] : memref<320000x128xf32, #tpu.memory_space<hbm>> -> memref<40x128xf32, #tpu.memory_space<hbm>>
    tpu.wait_dma2 semaphore(%arg40 : memref<!tpu.dma_semaphore, #tpu.memory_space<semaphore_mem>>) src(%dma_wait3A_80 : memref<40x128xf32, #tpu.memory_space<hbm>>) dst(%arg21 : memref<40x128xf32, #tpu.memory_space<vmem>>)
    %dma_wait3A_81 = arith.constant 0 : i32
    %dma_wait3A_82 = tpu.memref_slice %arg5[%mul3A_8, %dma_wait3A_81] : memref<320000x128xf32, #tpu.memory_space<hbm>> -> memref<40x128xf32, #tpu.memory_space<hbm>>
    %dma_wait3A_83 = arith.constant 0 : i32
    %dma_wait3A_84 = tpu.memref_slice %arg5[%mul3A_8, %dma_wait3A_83] : memref<320000x128xf32, #tpu.memory_space<hbm>> -> memref<40x128xf32, #tpu.memory_space<hbm>>
    tpu.wait_dma2 semaphore(%arg40 : memref<!tpu.dma_semaphore, #tpu.memory_space<semaphore_mem>>) src(%dma_wait3A_84 : memref<40x128xf32, #tpu.memory_space<hbm>>) dst(%arg25 : memref<40x128xf32, #tpu.memory_space<vmem>>)
    %dma_wait3A_85 = arith.constant 0 : i32
    %dma_wait3A_86 = tpu.memref_slice %arg7[%dma_wait3A_85] : memref<10000xf32, #tpu.memory_space<hbm>> -> memref<40xf32, #tpu.memory_space<hbm>>
    %dma_wait3A_87 = arith.constant 0 : i32
    %dma_wait3A_88 = tpu.memref_slice %arg7[%dma_wait3A_87] : memref<10000xf32, #tpu.memory_space<hbm>> -> memref<40xf32, #tpu.memory_space<hbm>>
    tpu.wait_dma2 semaphore(%arg40 : memref<!tpu.dma_semaphore, #tpu.memory_space<semaphore_mem>>) src(%dma_wait3A_88 : memref<40xf32, #tpu.memory_space<hbm>>) dst(%arg27 : memref<40xf32, #tpu.memory_space<vmem>>)
    %dma_wait3A_89 = arith.constant 0 : i32
    %dma_wait3A_90 = tpu.memref_slice %arg5[%mul3A_8, %dma_wait3A_89] : memref<320000x128xf32, #tpu.memory_space<hbm>> -> memref<40x128xf32, #tpu.memory_space<hbm>>
    %dma_wait3A_91 = arith.constant 0 : i32
    %dma_wait3A_92 = tpu.memref_slice %arg5[%mul3A_8, %dma_wait3A_91] : memref<320000x128xf32, #tpu.memory_space<hbm>> -> memref<40x128xf32, #tpu.memory_space<hbm>>
    tpu.wait_dma2 semaphore(%arg34 : memref<!tpu.dma_semaphore, #tpu.memory_space<semaphore_mem>>) src(%dma_wait3A_92 : memref<40x128xf32, #tpu.memory_space<hbm>>) dst(%arg19 : memref<40x128xf32, #tpu.memory_space<vmem>>)
    %dma_wait3A_93 = arith.constant 0 : i32
    %dma_wait3A_94 = tpu.memref_slice %arg5[%mul3A_8, %dma_wait3A_93] : memref<320000x128xf32, #tpu.memory_space<hbm>> -> memref<40x128xf32, #tpu.memory_space<hbm>>
    %dma_wait3A_95 = arith.constant 0 : i32
    %dma_wait3A_96 = tpu.memref_slice %arg5[%mul3A_8, %dma_wait3A_95] : memref<320000x128xf32, #tpu.memory_space<hbm>> -> memref<40x128xf32, #tpu.memory_space<hbm>>
    tpu.wait_dma2 semaphore(%arg34 : memref<!tpu.dma_semaphore, #tpu.memory_space<semaphore_mem>>) src(%dma_wait3A_96 : memref<40x128xf32, #tpu.memory_space<hbm>>) dst(%arg23 : memref<40x128xf32, #tpu.memory_space<vmem>>)
    %dma_start3A_97 = arith.constant 0 : i32
    %dma_start3A_98 = arith.constant 0 : i32
    %dma_start3A_99 = tpu.memref_slice %arg28[%dma_start3A_97, %dma_start3A_98] : memref<10000x128xf32, #tpu.memory_space<vmem_shared>> -> memref<10000x128xf32, #tpu.memory_space<vmem_shared>>
    tpu.enqueue_indirect_dma source(%arg19 : memref<40x128xf32, #tpu.memory_space<vmem>>) target(%dma_start3A_99 : memref<10000x128xf32, #tpu.memory_space<vmem_shared>>) offsets(%arg15 : memref<40xi32, #tpu.memory_space<vmem>>) semaphore(%arg38 : memref<!tpu.dma_semaphore, #tpu.memory_space<semaphore_mem>>) {add = true}
    %dma_start3A_100 = arith.constant 0 : i32
    %dma_start3A_101 = arith.constant 0 : i32
    %dma_start3A_102 = tpu.memref_slice %arg28[%dma_start3A_100, %dma_start3A_101] : memref<10000x128xf32, #tpu.memory_space<vmem_shared>> -> memref<10000x128xf32, #tpu.memory_space<vmem_shared>>
    tpu.enqueue_indirect_dma source(%arg23 : memref<40x128xf32, #tpu.memory_space<vmem>>) target(%dma_start3A_102 : memref<10000x128xf32, #tpu.memory_space<vmem_shared>>) offsets(%arg15 : memref<40xi32, #tpu.memory_space<vmem>>) semaphore(%arg38 : memref<!tpu.dma_semaphore, #tpu.memory_space<semaphore_mem>>) {add = true}
    %dma_start3A_103 = arith.constant 0 : i32
    %dma_start3A_104 = tpu.memref_slice %arg29[%dma_start3A_103] : memref<10000xf32, #tpu.memory_space<vmem_shared>> -> memref<10000xf32, #tpu.memory_space<vmem_shared>>
    tpu.enqueue_indirect_dma source(%arg27 : memref<40xf32, #tpu.memory_space<vmem>>) target(%dma_start3A_104 : memref<10000xf32, #tpu.memory_space<vmem_shared>>) offsets(%arg15 : memref<40xi32, #tpu.memory_space<vmem>>) semaphore(%arg38 : memref<!tpu.dma_semaphore, #tpu.memory_space<semaphore_mem>>) {add = true}
    %dma_wait3A_105 = arith.constant 0 : i32
    %dma_wait3A_106 = tpu.memref_slice %arg5[%mul3A_8, %dma_wait3A_105] : memref<320000x128xf32, #tpu.memory_space<hbm>> -> memref<40x128xf32, #tpu.memory_space<hbm>>
    %dma_wait3A_107 = arith.constant 0 : i32
    %dma_wait3A_108 = tpu.memref_slice %arg5[%mul3A_8, %dma_wait3A_107] : memref<320000x128xf32, #tpu.memory_space<hbm>> -> memref<40x128xf32, #tpu.memory_space<hbm>>
    tpu.wait_dma2 semaphore(%arg35 : memref<!tpu.dma_semaphore, #tpu.memory_space<semaphore_mem>>) src(%dma_wait3A_108 : memref<40x128xf32, #tpu.memory_space<hbm>>) dst(%arg20 : memref<40x128xf32, #tpu.memory_space<vmem>>)
    %dma_wait3A_109 = arith.constant 0 : i32
    %dma_wait3A_110 = tpu.memref_slice %arg5[%mul3A_8, %dma_wait3A_109] : memref<320000x128xf32, #tpu.memory_space<hbm>> -> memref<40x128xf32, #tpu.memory_space<hbm>>
    %dma_wait3A_111 = arith.constant 0 : i32
    %dma_wait3A_112 = tpu.memref_slice %arg5[%mul3A_8, %dma_wait3A_111] : memref<320000x128xf32, #tpu.memory_space<hbm>> -> memref<40x128xf32, #tpu.memory_space<hbm>>
    tpu.wait_dma2 semaphore(%arg35 : memref<!tpu.dma_semaphore, #tpu.memory_space<semaphore_mem>>) src(%dma_wait3A_112 : memref<40x128xf32, #tpu.memory_space<hbm>>) dst(%arg24 : memref<40x128xf32, #tpu.memory_space<vmem>>)
    %dma_start3A_113 = arith.constant 0 : i32
    %dma_start3A_114 = arith.constant 0 : i32
    %dma_start3A_115 = tpu.memref_slice %arg28[%dma_start3A_113, %dma_start3A_114] : memref<10000x128xf32, #tpu.memory_space<vmem_shared>> -> memref<10000x128xf32, #tpu.memory_space<vmem_shared>>
    tpu.enqueue_indirect_dma source(%arg20 : memref<40x128xf32, #tpu.memory_space<vmem>>) target(%dma_start3A_115 : memref<10000x128xf32, #tpu.memory_space<vmem_shared>>) offsets(%arg16 : memref<40xi32, #tpu.memory_space<vmem>>) semaphore(%arg39 : memref<!tpu.dma_semaphore, #tpu.memory_space<semaphore_mem>>) {add = true}
    %dma_start3A_116 = arith.constant 0 : i32
    %dma_start3A_117 = arith.constant 0 : i32
    %dma_start3A_118 = tpu.memref_slice %arg28[%dma_start3A_116, %dma_start3A_117] : memref<10000x128xf32, #tpu.memory_space<vmem_shared>> -> memref<10000x128xf32, #tpu.memory_space<vmem_shared>>
    tpu.enqueue_indirect_dma source(%arg24 : memref<40x128xf32, #tpu.memory_space<vmem>>) target(%dma_start3A_118 : memref<10000x128xf32, #tpu.memory_space<vmem_shared>>) offsets(%arg16 : memref<40xi32, #tpu.memory_space<vmem>>) semaphore(%arg39 : memref<!tpu.dma_semaphore, #tpu.memory_space<semaphore_mem>>) {add = true}
    %dma_start3A_119 = arith.constant 0 : i32
    %dma_start3A_120 = tpu.memref_slice %arg29[%dma_start3A_119] : memref<10000xf32, #tpu.memory_space<vmem_shared>> -> memref<10000xf32, #tpu.memory_space<vmem_shared>>
    tpu.enqueue_indirect_dma source(%arg27 : memref<40xf32, #tpu.memory_space<vmem>>) target(%dma_start3A_120 : memref<10000xf32, #tpu.memory_space<vmem_shared>>) offsets(%arg16 : memref<40xi32, #tpu.memory_space<vmem>>) semaphore(%arg39 : memref<!tpu.dma_semaphore, #tpu.memory_space<semaphore_mem>>) {add = true}
    %dma_wait3A_121 = arith.constant 0 : i32
    %dma_wait3A_122 = tpu.memref_slice %arg5[%mul3A_8, %dma_wait3A_121] : memref<320000x128xf32, #tpu.memory_space<hbm>> -> memref<40x128xf32, #tpu.memory_space<hbm>>
    %dma_wait3A_123 = arith.constant 0 : i32
    %dma_wait3A_124 = tpu.memref_slice %arg5[%mul3A_8, %dma_wait3A_123] : memref<320000x128xf32, #tpu.memory_space<hbm>> -> memref<40x128xf32, #tpu.memory_space<hbm>>
    tpu.wait_dma2 semaphore(%arg41 : memref<!tpu.dma_semaphore, #tpu.memory_space<semaphore_mem>>) src(%dma_wait3A_124 : memref<40x128xf32, #tpu.memory_space<hbm>>) dst(%arg22 : memref<40x128xf32, #tpu.memory_space<vmem>>)
    %dma_wait3A_125 = arith.constant 0 : i32
    %dma_wait3A_126 = tpu.memref_slice %arg5[%mul3A_8, %dma_wait3A_125] : memref<320000x128xf32, #tpu.memory_space<hbm>> -> memref<40x128xf32, #tpu.memory_space<hbm>>
    %dma_wait3A_127 = arith.constant 0 : i32
    %dma_wait3A_128 = tpu.memref_slice %arg5[%mul3A_8, %dma_wait3A_127] : memref<320000x128xf32, #tpu.memory_space<hbm>> -> memref<40x128xf32, #tpu.memory_space<hbm>>
    tpu.wait_dma2 semaphore(%arg41 : memref<!tpu.dma_semaphore, #tpu.memory_space<semaphore_mem>>) src(%dma_wait3A_128 : memref<40x128xf32, #tpu.memory_space<hbm>>) dst(%arg26 : memref<40x128xf32, #tpu.memory_space<vmem>>)
    %dma_wait3A_129 = arith.constant 0 : i32
    %dma_wait3A_130 = tpu.memref_slice %arg7[%dma_wait3A_129] : memref<10000xf32, #tpu.memory_space<hbm>> -> memref<40xf32, #tpu.memory_space<hbm>>
    %dma_wait3A_131 = arith.constant 0 : i32
    %dma_wait3A_132 = tpu.memref_slice %arg7[%dma_wait3A_131] : memref<10000xf32, #tpu.memory_space<hbm>> -> memref<40xf32, #tpu.memory_space<hbm>>
    tpu.wait_dma2 semaphore(%arg41 : memref<!tpu.dma_semaphore, #tpu.memory_space<semaphore_mem>>) src(%dma_wait3A_132 : memref<40xf32, #tpu.memory_space<hbm>>) dst(%arg27 : memref<40xf32, #tpu.memory_space<vmem>>)
    %dma_wait3A_133 = arith.constant 0 : i32
    %dma_wait3A_134 = tpu.memref_slice %arg5[%mul3A_8, %dma_wait3A_133] : memref<320000x128xf32, #tpu.memory_space<hbm>> -> memref<40x128xf32, #tpu.memory_space<hbm>>
    %dma_wait3A_135 = arith.constant 0 : i32
    %dma_wait3A_136 = tpu.memref_slice %arg5[%mul3A_8, %dma_wait3A_135] : memref<320000x128xf32, #tpu.memory_space<hbm>> -> memref<40x128xf32, #tpu.memory_space<hbm>>
    tpu.wait_dma2 semaphore(%arg38 : memref<!tpu.dma_semaphore, #tpu.memory_space<semaphore_mem>>) src(%dma_wait3A_136 : memref<40x128xf32, #tpu.memory_space<hbm>>) dst(%arg19 : memref<40x128xf32, #tpu.memory_space<vmem>>)
    %dma_wait3A_137 = arith.constant 0 : i32
    %dma_wait3A_138 = tpu.memref_slice %arg5[%mul3A_8, %dma_wait3A_137] : memref<320000x128xf32, #tpu.memory_space<hbm>> -> memref<40x128xf32, #tpu.memory_space<hbm>>
    %dma_wait3A_139 = arith.constant 0 : i32
    %dma_wait3A_140 = tpu.memref_slice %arg5[%mul3A_8, %dma_wait3A_139] : memref<320000x128xf32, #tpu.memory_space<hbm>> -> memref<40x128xf32, #tpu.memory_space<hbm>>
    tpu.wait_dma2 semaphore(%arg38 : memref<!tpu.dma_semaphore, #tpu.memory_space<semaphore_mem>>) src(%dma_wait3A_140 : memref<40x128xf32, #tpu.memory_space<hbm>>) dst(%arg23 : memref<40x128xf32, #tpu.memory_space<vmem>>)
    %dma_wait3A_141 = arith.constant 0 : i32
    %dma_wait3A_142 = tpu.memref_slice %arg7[%dma_wait3A_141] : memref<10000xf32, #tpu.memory_space<hbm>> -> memref<40xf32, #tpu.memory_space<hbm>>
    %dma_wait3A_143 = arith.constant 0 : i32
    %dma_wait3A_144 = tpu.memref_slice %arg7[%dma_wait3A_143] : memref<10000xf32, #tpu.memory_space<hbm>> -> memref<40xf32, #tpu.memory_space<hbm>>
    tpu.wait_dma2 semaphore(%arg38 : memref<!tpu.dma_semaphore, #tpu.memory_space<semaphore_mem>>) src(%dma_wait3A_144 : memref<40xf32, #tpu.memory_space<hbm>>) dst(%arg27 : memref<40xf32, #tpu.memory_space<vmem>>)
    %dma_wait3A_145 = arith.constant 0 : i32
    %dma_wait3A_146 = tpu.memref_slice %arg5[%mul3A_8, %dma_wait3A_145] : memref<320000x128xf32, #tpu.memory_space<hbm>> -> memref<40x128xf32, #tpu.memory_space<hbm>>
    %dma_wait3A_147 = arith.constant 0 : i32
    %dma_wait3A_148 = tpu.memref_slice %arg5[%mul3A_8, %dma_wait3A_147] : memref<320000x128xf32, #tpu.memory_space<hbm>> -> memref<40x128xf32, #tpu.memory_space<hbm>>
    tpu.wait_dma2 semaphore(%arg39 : memref<!tpu.dma_semaphore, #tpu.memory_space<semaphore_mem>>) src(%dma_wait3A_148 : memref<40x128xf32, #tpu.memory_space<hbm>>) dst(%arg20 : memref<40x128xf32, #tpu.memory_space<vmem>>)
    %dma_wait3A_149 = arith.constant 0 : i32
    %dma_wait3A_150 = tpu.memref_slice %arg5[%mul3A_8, %dma_wait3A_149] : memref<320000x128xf32, #tpu.memory_space<hbm>> -> memref<40x128xf32, #tpu.memory_space<hbm>>
    %dma_wait3A_151 = arith.constant 0 : i32
    %dma_wait3A_152 = tpu.memref_slice %arg5[%mul3A_8, %dma_wait3A_151] : memref<320000x128xf32, #tpu.memory_space<hbm>> -> memref<40x128xf32, #tpu.memory_space<hbm>>
    tpu.wait_dma2 semaphore(%arg39 : memref<!tpu.dma_semaphore, #tpu.memory_space<semaphore_mem>>) src(%dma_wait3A_152 : memref<40x128xf32, #tpu.memory_space<hbm>>) dst(%arg24 : memref<40x128xf32, #tpu.memory_space<vmem>>)
    %dma_wait3A_153 = arith.constant 0 : i32
    %dma_wait3A_154 = tpu.memref_slice %arg7[%dma_wait3A_153] : memref<10000xf32, #tpu.memory_space<hbm>> -> memref<40xf32, #tpu.memory_space<hbm>>
    %dma_wait3A_155 = arith.constant 0 : i32
    %dma_wait3A_156 = tpu.memref_slice %arg7[%dma_wait3A_155] : memref<10000xf32, #tpu.memory_space<hbm>> -> memref<40xf32, #tpu.memory_space<hbm>>
    tpu.wait_dma2 semaphore(%arg39 : memref<!tpu.dma_semaphore, #tpu.memory_space<semaphore_mem>>) src(%dma_wait3A_156 : memref<40xf32, #tpu.memory_space<hbm>>) dst(%arg27 : memref<40xf32, #tpu.memory_space<vmem>>)
    %barrier3A_157 = arith.constant 0 : index
    tpu.barrier barrier_id(%barrier3A_157)
    %lt3A_158 = arith.constant 10 : i32
    %lt3A_159 = arith.cmpi slt, %arg1, %lt3A_158 : i32
    %convert_element_type3A_160 = arith.extui %lt3A_159 : i1 to i32
    %cond3A_161 = arith.constant 0 : i32
    %cond3A_162 = arith.cmpi ne, %convert_element_type3A_160, %cond3A_161 : i32
    scf.if %cond3A_162 {
      %mul3A_168 = arith.constant 1000 : i32
      %mul3A_169 = arith.muli %arg1, %mul3A_168 : i32
      %mul3A_170 = arith.constant 1000 : i32
      %mul3A_171 = arith.muli %arg1, %mul3A_170 : i32
      "tpu.region"() ({
        %run_scoped3A = tpu.sem_alloc : memref<!tpu.dma_semaphore, #tpu.memory_space<semaphore_mem>>
        %dma_start3A_172 = arith.constant 0 : i32
        %dma_start3A_173 = tpu.memref_slice %arg9[%arg0, %mul3A_171, %dma_start3A_172] : memref<2x10000x128xf32, #tpu.memory_space<hbm>> -> memref<1x1000x128xf32, #tpu.memory_space<hbm>>
        %dma_start3A_174 = tpu.memref_squeeze %dma_start3A_173 : memref<1x1000x128xf32, #tpu.memory_space<hbm>> -> memref<1000x128xf32, #tpu.memory_space<hbm>>
        %dma_start3A_175 = arith.constant 0 : i32
        %dma_start3A_176 = tpu.memref_slice %arg28[%mul3A_169, %dma_start3A_175] : memref<10000x128xf32, #tpu.memory_space<vmem_shared>> -> memref<1000x128xf32, #tpu.memory_space<vmem_shared>>
        tpu.enqueue_dma source(%dma_start3A_176 : memref<1000x128xf32, #tpu.memory_space<vmem_shared>>) target(%dma_start3A_174 : memref<1000x128xf32, #tpu.memory_space<hbm>>) target_semaphore(%run_scoped3A : memref<!tpu.dma_semaphore, #tpu.memory_space<semaphore_mem>>)
        %dma_wait3A_177 = arith.constant 0 : i32
        %dma_wait3A_178 = tpu.memref_slice %arg9[%arg0, %mul3A_171, %dma_wait3A_177] : memref<2x10000x128xf32, #tpu.memory_space<hbm>> -> memref<1x1000x128xf32, #tpu.memory_space<hbm>>
        %dma_wait3A_179 = tpu.memref_squeeze %dma_wait3A_178 : memref<1x1000x128xf32, #tpu.memory_space<hbm>> -> memref<1000x128xf32, #tpu.memory_space<hbm>>
        %dma_wait3A_180 = arith.constant 0 : i32
        %dma_wait3A_181 = tpu.memref_slice %arg28[%mul3A_169, %dma_wait3A_180] : memref<10000x128xf32, #tpu.memory_space<vmem_shared>> -> memref<1000x128xf32, #tpu.memory_space<vmem_shared>>
        tpu.wait_dma2 semaphore(%run_scoped3A : memref<!tpu.dma_semaphore, #tpu.memory_space<semaphore_mem>>) src(%dma_wait3A_181 : memref<1000x128xf32, #tpu.memory_space<vmem_shared>>) dst(%dma_wait3A_179 : memref<1000x128xf32, #tpu.memory_space<hbm>>)
        tpu.yield
      }) : () -> ()
    } else {
    }
    %eq3A_163 = arith.constant 0 : i32
    %eq3A_164 = arith.cmpi eq, %arg1, %eq3A_163 : i32
    %convert_element_type3A_165 = arith.extui %eq3A_164 : i1 to i32
    %cond3A_166 = arith.constant 0 : i32
    %cond3A_167 = arith.cmpi ne, %convert_element_type3A_165, %cond3A_166 : i32
    scf.if %cond3A_167 {
      "tpu.region"() ({
        %run_scoped3A = tpu.sem_alloc : memref<!tpu.dma_semaphore, #tpu.memory_space<semaphore_mem>>
        %dma_start3A_168 = arith.constant 0 : i32
        %dma_start3A_169 = tpu.memref_slice %arg10[%arg0, %dma_start3A_168] : memref<2x10000xf32, #tpu.memory_space<hbm>> -> memref<1x10000xf32, #tpu.memory_space<hbm>>
        %dma_start3A_170 = tpu.memref_squeeze %dma_start3A_169 : memref<1x10000xf32, #tpu.memory_space<hbm>> -> memref<10000xf32, #tpu.memory_space<hbm>>
        tpu.enqueue_dma source(%arg29 : memref<10000xf32, #tpu.memory_space<vmem_shared>>) target(%dma_start3A_170 : memref<10000xf32, #tpu.memory_space<hbm>>) target_semaphore(%run_scoped3A : memref<!tpu.dma_semaphore, #tpu.memory_space<semaphore_mem>>)
        %dma_wait3A_171 = arith.constant 0 : i32
        %dma_wait3A_172 = tpu.memref_slice %arg10[%arg0, %dma_wait3A_171] : memref<2x10000xf32, #tpu.memory_space<hbm>> -> memref<1x10000xf32, #tpu.memory_space<hbm>>
        %dma_wait3A_173 = tpu.memref_squeeze %dma_wait3A_172 : memref<1x10000xf32, #tpu.memory_space<hbm>> -> memref<10000xf32, #tpu.memory_space<hbm>>
        tpu.wait_dma2 semaphore(%run_scoped3A : memref<!tpu.dma_semaphore, #tpu.memory_space<semaphore_mem>>) src(%arg29 : memref<10000xf32, #tpu.memory_space<vmem_shared>>) dst(%dma_wait3A_173 : memref<10000xf32, #tpu.memory_space<hbm>>)
        tpu.yield
      }) : () -> ()
    } else {
    }
    return
  }
}

module attributes {stable_mosaic.version = 14 : i64} {
  func.func @body(%arg0: i32, %arg1: memref<2000x128xf32, #tpu.memory_space<vmem>>, %arg2: memref<2x2000x128xf32, #tpu.memory_space<vmem>>, %arg3: memref<2000x2xf32, #tpu.memory_space<vmem>>, %arg4: memref<128x128xf32, #tpu.memory_space<vmem>>, %arg5: memref<1x128xf32, #tpu.memory_space<vmem>>, %arg6: memref<128x128xf32, #tpu.memory_space<vmem>>, %arg7: memref<128x128xf32, #tpu.memory_space<vmem>>, %arg8: memref<1x128xf32, #tpu.memory_space<vmem>>, %arg9: memref<1x128xf32, #tpu.memory_space<vmem>>, %arg10: memref<1x128xf32, #tpu.memory_space<vmem>>, %arg11: memref<2000x128xf32, #tpu.memory_space<vmem>>) attributes {dimension_semantics = [#tpu.dimension_semantics<arbitrary>], iteration_bounds = array<i64: 5>, scalar_prefetch = 0 : i64, scratch_operands = 0 : i64, tpu.core_type = #tpu.core_type<tc>, window_params = [{transform_indices = @transform_0, window_bounds = array<i64: 2000, 128>}, {transform_indices = @transform_1, window_bounds = array<i64: 2, 2000, 128>}, {transform_indices = @transform_2, window_bounds = array<i64: 2000, 2>}, {pipeline_mode = #tpu.pipeline_mode<synchronous>, transform_indices = @transform_3, window_bounds = array<i64: 128, 128>}, {pipeline_mode = #tpu.pipeline_mode<synchronous>, transform_indices = @transform_4, window_bounds = array<i64: 1, 128>}, {pipeline_mode = #tpu.pipeline_mode<synchronous>, transform_indices = @transform_5, window_bounds = array<i64: 128, 128>}, {pipeline_mode = #tpu.pipeline_mode<synchronous>, transform_indices = @transform_6, window_bounds = array<i64: 128, 128>}, {pipeline_mode = #tpu.pipeline_mode<synchronous>, transform_indices = @transform_7, window_bounds = array<i64: 1, 128>}, {pipeline_mode = #tpu.pipeline_mode<synchronous>, transform_indices = @transform_8, window_bounds = array<i64: 1, 128>}, {pipeline_mode = #tpu.pipeline_mode<synchronous>, transform_indices = @transform_9, window_bounds = array<i64: 1, 128>}, {transform_indices = @transform_10, window_bounds = array<i64: 2000, 128>}]} {
    %get3A = arith.constant 0 : index
    %get3A_0 = arith.constant 0 : index
    %get3A_1 = vector.load %arg1[%get3A, %get3A_0] : memref<2000x128xf32, #tpu.memory_space<vmem>>, vector<2000x128xf32>
    %get3A_2 = arith.constant 0 : index
    %get3A_3 = arith.constant 0 : index
    %get3A_4 = arith.constant 0 : index
    %get3A_5 = vector.load %arg2[%get3A_2, %get3A_3, %get3A_4] : memref<2x2000x128xf32, #tpu.memory_space<vmem>>, vector<1x2000x128xf32>
    %get3A_6 = vector.shape_cast %get3A_5 : vector<1x2000x128xf32> to vector<2000x128xf32>
    %get3A_7 = arith.constant 1 : index
    %get3A_8 = arith.constant 0 : index
    %get3A_9 = arith.constant 0 : index
    %get3A_10 = vector.load %arg2[%get3A_7, %get3A_8, %get3A_9] : memref<2x2000x128xf32, #tpu.memory_space<vmem>>, vector<1x2000x128xf32>
    %get3A_11 = vector.shape_cast %get3A_10 : vector<1x2000x128xf32> to vector<2000x128xf32>
    %add3A = arith.addf %get3A_6, %get3A_11 : vector<2000x128xf32>
    %get3A_12 = arith.constant 0 : index
    %get3A_13 = arith.constant 0 : index
    %get3A_14 = vector.load %arg3[%get3A_12, %get3A_13] : memref<2000x2xf32, #tpu.memory_space<vmem>>, vector<2000x1xf32>
    %get3A_15 = arith.constant 0 : index
    %get3A_16 = arith.constant 1 : index
    %get3A_17 = vector.load %arg3[%get3A_15, %get3A_16] : memref<2000x2xf32, #tpu.memory_space<vmem>>, vector<2000x1xf32>
    %add3A_18 = arith.addf %get3A_14, %get3A_17 : vector<2000x1xf32>
    %get3A_19 = arith.constant 0 : index
    %get3A_20 = arith.constant 0 : index
    %get3A_21 = vector.load %arg4[%get3A_19, %get3A_20] : memref<128x128xf32, #tpu.memory_space<vmem>>, vector<128x128xf32>
    %dot_general3A = arith.constant dense<0.000000e+00> : vector<2000x128xf32>
    %dot_general3A_22 = tpu.matmul %add3A, %get3A_21, %dot_general3A {dimension_numbers = #tpu.dot_dimension_numbers<[1], [1], [0], [0], [0, 0, 1, 0], [], []>, transpose_lhs_hint = false} : vector<2000x128xf32>, vector<128x128xf32>, vector<2000x128xf32> -> vector<2000x128xf32>
    %get3A_23 = arith.constant 0 : index
    %get3A_24 = arith.constant 0 : index
    %get3A_25 = vector.load %arg5[%get3A_23, %get3A_24] : memref<1x128xf32, #tpu.memory_space<vmem>>, vector<1x128xf32>
    %mul3A = vector.broadcast %add3A_18 : vector<2000x1xf32> to vector<2000x128xf32>
    %mul3A_26 = vector.broadcast %get3A_25 : vector<1x128xf32> to vector<2000x128xf32>
    %mul3A_27 = arith.mulf %mul3A, %mul3A_26 : vector<2000x128xf32>
    %add3A_28 = arith.addf %dot_general3A_22, %mul3A_27 : vector<2000x128xf32>
    %max3A = arith.constant 1.000000e+00 : f32
    %max3A_29 = vector.broadcast %max3A : f32 to vector<2000x1xf32>
    %max3A_30 = arith.maximumf %add3A_18, %max3A_29 : vector<2000x1xf32>
    %div3A = vector.broadcast %max3A_30 : vector<2000x1xf32> to vector<2000x128xf32>
    %div3A_31 = arith.divf %add3A_28, %div3A : vector<2000x128xf32>
    %get3A_32 = arith.constant 0 : index
    %get3A_33 = arith.constant 0 : index
    %get3A_34 = vector.load %arg6[%get3A_32, %get3A_33] : memref<128x128xf32, #tpu.memory_space<vmem>>, vector<128x128xf32>
    %dot_general3A_35 = arith.constant dense<0.000000e+00> : vector<2000x128xf32>
    %dot_general3A_36 = tpu.matmul %get3A_1, %get3A_34, %dot_general3A_35 {dimension_numbers = #tpu.dot_dimension_numbers<[1], [1], [0], [0], [0, 0, 1, 0], [], []>, transpose_lhs_hint = false} : vector<2000x128xf32>, vector<128x128xf32>, vector<2000x128xf32> -> vector<2000x128xf32>
    %get3A_37 = arith.constant 0 : index
    %get3A_38 = arith.constant 0 : index
    %get3A_39 = vector.load %arg7[%get3A_37, %get3A_38] : memref<128x128xf32, #tpu.memory_space<vmem>>, vector<128x128xf32>
    %dot_general3A_40 = arith.constant dense<0.000000e+00> : vector<2000x128xf32>
    %dot_general3A_41 = tpu.matmul %div3A_31, %get3A_39, %dot_general3A_40 {dimension_numbers = #tpu.dot_dimension_numbers<[1], [1], [0], [0], [0, 0, 1, 0], [], []>, transpose_lhs_hint = false} : vector<2000x128xf32>, vector<128x128xf32>, vector<2000x128xf32> -> vector<2000x128xf32>
    %add3A_42 = arith.addf %dot_general3A_36, %dot_general3A_41 : vector<2000x128xf32>
    %get3A_43 = arith.constant 0 : index
    %get3A_44 = arith.constant 0 : index
    %get3A_45 = vector.load %arg8[%get3A_43, %get3A_44] : memref<1x128xf32, #tpu.memory_space<vmem>>, vector<1x128xf32>
    %add3A_46 = vector.broadcast %get3A_45 : vector<1x128xf32> to vector<2000x128xf32>
    %add3A_47 = arith.addf %add3A_42, %add3A_46 : vector<2000x128xf32>
    %mul3A_48 = arith.constant 5.000000e-01 : f32
    %mul3A_49 = vector.broadcast %mul3A_48 : f32 to vector<2000x128xf32>
    %mul3A_50 = arith.mulf %mul3A_49, %add3A_47 : vector<2000x128xf32>
    %mul3A_51 = arith.constant 0.707106769 : f32
    %mul3A_52 = vector.broadcast %mul3A_51 : f32 to vector<2000x128xf32>
    %mul3A_53 = arith.mulf %add3A_47, %mul3A_52 : vector<2000x128xf32>
    %erf3A = math.erf %mul3A_53 : vector<2000x128xf32>
    %add3A_54 = arith.constant 1.000000e+00 : f32
    %add3A_55 = vector.broadcast %add3A_54 : f32 to vector<2000x128xf32>
    %add3A_56 = arith.addf %add3A_55, %erf3A : vector<2000x128xf32>
    %mul3A_57 = arith.mulf %mul3A_50, %add3A_56 : vector<2000x128xf32>
    %add3A_58 = arith.addf %get3A_1, %mul3A_57 : vector<2000x128xf32>
    %reduce_sum3A = arith.constant dense<0.000000e+00> : vector<2000xf32>
    %reduce_sum3A_59 = vector.multi_reduction <add>, %add3A_58, %reduce_sum3A [1] : vector<2000x128xf32> to vector<2000xf32>
    %broadcast_in_dim3A = vector.shape_cast %reduce_sum3A_59 : vector<2000xf32> to vector<2000x1xf32>
    %div3A_60 = arith.constant 1.280000e+02 : f32
    %div3A_61 = vector.broadcast %div3A_60 : f32 to vector<2000x1xf32>
    %div3A_62 = arith.divf %broadcast_in_dim3A, %div3A_61 : vector<2000x1xf32>
    %sub3A = vector.broadcast %div3A_62 : vector<2000x1xf32> to vector<2000x128xf32>
    %sub3A_63 = arith.subf %add3A_58, %sub3A : vector<2000x128xf32>
    %mul3A_64 = arith.mulf %sub3A_63, %sub3A_63 : vector<2000x128xf32>
    %reduce_sum3A_65 = arith.constant dense<0.000000e+00> : vector<2000xf32>
    %reduce_sum3A_66 = vector.multi_reduction <add>, %mul3A_64, %reduce_sum3A_65 [1] : vector<2000x128xf32> to vector<2000xf32>
    %broadcast_in_dim3A_67 = vector.shape_cast %reduce_sum3A_66 : vector<2000xf32> to vector<2000x1xf32>
    %div3A_68 = arith.constant 1.280000e+02 : f32
    %div3A_69 = vector.broadcast %div3A_68 : f32 to vector<2000x1xf32>
    %div3A_70 = arith.divf %broadcast_in_dim3A_67, %div3A_69 : vector<2000x1xf32>
    %add3A_71 = arith.constant 9.99999974E-6 : f32
    %add3A_72 = vector.broadcast %add3A_71 : f32 to vector<2000x1xf32>
    %add3A_73 = arith.addf %div3A_70, %add3A_72 : vector<2000x1xf32>
    %rsqrt3A = math.rsqrt %add3A_73 : vector<2000x1xf32>
    %mul3A_74 = vector.broadcast %rsqrt3A : vector<2000x1xf32> to vector<2000x128xf32>
    %mul3A_75 = arith.mulf %sub3A_63, %mul3A_74 : vector<2000x128xf32>
    %get3A_76 = arith.constant 0 : index
    %get3A_77 = arith.constant 0 : index
    %get3A_78 = vector.load %arg9[%get3A_76, %get3A_77] : memref<1x128xf32, #tpu.memory_space<vmem>>, vector<1x128xf32>
    %mul3A_79 = vector.broadcast %get3A_78 : vector<1x128xf32> to vector<2000x128xf32>
    %mul3A_80 = arith.mulf %mul3A_75, %mul3A_79 : vector<2000x128xf32>
    %get3A_81 = arith.constant 0 : index
    %get3A_82 = arith.constant 0 : index
    %get3A_83 = vector.load %arg10[%get3A_81, %get3A_82] : memref<1x128xf32, #tpu.memory_space<vmem>>, vector<1x128xf32>
    %add3A_84 = vector.broadcast %get3A_83 : vector<1x128xf32> to vector<2000x128xf32>
    %add3A_85 = arith.addf %mul3A_80, %add3A_84 : vector<2000x128xf32>
    %swap3A = arith.constant 0 : index
    %swap3A_86 = arith.constant 0 : index
    %swap3A_87 = vector.load %arg11[%swap3A, %swap3A_86] : memref<2000x128xf32, #tpu.memory_space<vmem>>, vector<2000x128xf32>
    tpu.vector_store %arg11[%swap3A, %swap3A_86], %add3A_85 {strides = array<i32>} : memref<2000x128xf32, #tpu.memory_space<vmem>>, vector<2000x128xf32>,
    return
  }
  func.func @transform_0(%arg0: i32) -> (i32, i32) {
    %c0_i32 = arith.constant 0 : i32
    %c0_i32_0 = arith.constant 0 : i32
    return %arg0, %c0_i32 : i32, i32
  }
  func.func @transform_1(%arg0: i32) -> (i32, i32, i32) {
    %c0_i32 = arith.constant 0 : i32
    %c0_i32_0 = arith.constant 0 : i32
    %c0_i32_1 = arith.constant 0 : i32
    return %c0_i32, %arg0, %c0_i32_0 : i32, i32, i32
  }
  func.func @transform_2(%arg0: i32) -> (i32, i32) {
    %c0_i32 = arith.constant 0 : i32
    %c0_i32_0 = arith.constant 0 : i32
    return %arg0, %c0_i32 : i32, i32
  }
  func.func @transform_3(%arg0: i32) -> (i32, i32) {
    %c0_i32 = arith.constant 0 : i32
    %c0_i32_0 = arith.constant 0 : i32
    %c0_i32_1 = arith.constant 0 : i32
    return %c0_i32, %c0_i32_0 : i32, i32
  }
  func.func @transform_4(%arg0: i32) -> (i32, i32) {
    %c0_i32 = arith.constant 0 : i32
    %c0_i32_0 = arith.constant 0 : i32
    %c0_i32_1 = arith.constant 0 : i32
    return %c0_i32, %c0_i32_0 : i32, i32
  }
  func.func @transform_5(%arg0: i32) -> (i32, i32) {
    %c0_i32 = arith.constant 0 : i32
    %c0_i32_0 = arith.constant 0 : i32
    %c0_i32_1 = arith.constant 0 : i32
    return %c0_i32, %c0_i32_0 : i32, i32
  }
  func.func @transform_6(%arg0: i32) -> (i32, i32) {
    %c0_i32 = arith.constant 0 : i32
    %c0_i32_0 = arith.constant 0 : i32
    %c0_i32_1 = arith.constant 0 : i32
    return %c0_i32, %c0_i32_0 : i32, i32
  }
  func.func @transform_7(%arg0: i32) -> (i32, i32) {
    %c0_i32 = arith.constant 0 : i32
    %c0_i32_0 = arith.constant 0 : i32
    %c0_i32_1 = arith.constant 0 : i32
    return %c0_i32, %c0_i32_0 : i32, i32
  }
  func.func @transform_8(%arg0: i32) -> (i32, i32) {
    %c0_i32 = arith.constant 0 : i32
    %c0_i32_0 = arith.constant 0 : i32
    %c0_i32_1 = arith.constant 0 : i32
    return %c0_i32, %c0_i32_0 : i32, i32
  }
  func.func @transform_9(%arg0: i32) -> (i32, i32) {
    %c0_i32 = arith.constant 0 : i32
    %c0_i32_0 = arith.constant 0 : i32
    %c0_i32_1 = arith.constant 0 : i32
    return %c0_i32, %c0_i32_0 : i32, i32
  }
  func.func @transform_10(%arg0: i32) -> (i32, i32) {
    %c0_i32 = arith.constant 0 : i32
    %c0_i32_0 = arith.constant 0 : i32
    return %arg0, %c0_i32 : i32, i32
  }
}

</mosaic_0001>

<sc_bundles>
// kernel: kernel.4.cloned.1.call-start
scs
__scs_entry_jumppad:
0x0: {  	(pc) =	sbr.rel $0x88, $3  }
0x1: {  	(tag) =	ssettag $0x0;
	lr =	simm.s32 $0x1  }
0x2: {  	[smem:$0x3F98] =	sst lr;
	_ =	strace $0xD0000000  }
0x3: {  	_ = 	snop  }
0x4: {  	_ = 	snop  }
0x5: {  	_ = 	snop  }
0x6: {  	_ = 	snop  }
0x7: {  	_ = 	snop  }
__scs_overlays_trampoline_lowered:
0x8: {  	[smem:$0x3FA7] =	sst s0  }
0x9: {  	[smem:$0x3FA8] =	sst s1  }
0xa: {  	[smem:$0x3FA9] =	sst s2  }
0xb: {  	[smem:$0x3FAA] =	sst s3  }
0xc: {  	[smem:$0x3FAB] =	sst s4  }
0xd: {  	[smem:$0x3FAC] =	sst s5  }
0xe: {  	[smem:$0x3FAD] =	sst s6  }
0xf: {  	[smem:$0x3FAE] =	sst s7  }
0x10: {  	[smem:$0x3FAF] =	sst s8  }
0x11: {  	[smem:$0x3FB0] =	sst s9;
	s0 =	simm.s32 @!p0 $0x0  }
0x12: {  	s1 =	sld [smem:$0x3F96];
	s0 =	simm.s32 @p0 $0x1  }
0x13: {  	[smem:$0x3FB1] =	sst s0;
	s0 =	simm.s32 @!p1 $0x0  }
0x14: {  	s2 =	sld [smem:$0x3F95];
	s0 =	simm.s32 @p1 $0x1  }
0x15: {  	[smem:$0x3FB2] =	sst s0;
	s0 =	simm.s32 @!p2 $0x0  }
0x16: {  	s3 =	sld [smem:$0x3FDB];
	s0 =	simm.s32 @p2 $0x1  }
0x17: {  	s4 =	simm.s32 $0x1BF5;
	[smem:$0x3FB4] =	sst s0  }
0x18: {  	s0 =	sld [smem:$0x3F97];
	_ =	swait.ge [sflag:s4], $0x0  }
0x19: {  	s7 =	sld [smem:$0x3F98]  }
0x1a: {  	s8 =	sadd.s32 $0xFFFFE003, lr  }
0x1b: {  	s9 =	sadd.s32 $0xFFFFFEF7, lr;
	s5 =	simm.s32 $0xFFFFFFFF;
	p2 =	slt.u32 s8, $0xFFFFF086  }
0x1c: {  	p1 =	slt.u32 s9, $0xF7A;
	s5 =	simm.s32 @!p2 $0x0  }
0x1d: {  	s5 =	simm.s32 @p1 $0x1;
	p0 =	seq.s32 s7, s2  }
0x1e: {  	s7 =	smul.u32 @!p0 $0xF7A, s2;
	p2 =	seq.s32 @!p0 s5, $0x0  }
0x1f: {  	s9 =	smul.u32 $0xF7A, s1;
	s8 =	simm.s32 @!p0 $0x1BF5;
	p2 =	por !p2, p0  }
0x20: {  	[sflag:s8] =	ssyncset.s32 @!p0 $0xFFFFF086;
	s6 =	sadd.s32 @!p0 s3, s7;
	s7 =	simm.s32 @!p0 $0x108  }
0x21: {  	s3 =	sadd.s32 s3, s9;
	s6 =	sadd.s32 @!p0 $0x88, s6;
	s7 =	simm.s32 @p2 $0x1082  }
0x22: {  	[simem:s7], [sflag:s8] =	dma.local @!p0 [hbm:s6], $0xF7A  }
0x23: {  	s9 =	sor.u32 $0xD0000000, s2;
	s6 =	simm.s32 $0x108;
	_ =	swait.ge @!p0 [sflag:s8], $0x0  }
0x24: {  	s3 =	sadd.s32 $0x88, s3;
	s6 =	simm.s32 @!p1 $0x1082;
	[sflag:s4] =	ssyncset.s32 $0xFFFFF086  }
0x25: {  	[simem:s6], [sflag:s4] =	dma.local [hbm:s3], $0xF7A  }
0x26: {  	[smem:$0x3F98] =	sst s1;
	(tag) =	ssettag s2;
	_ =	strace s9  }
0x27: {  	s1 =	sld [smem:$0x3FA8]  }
0x28: {  	s2 =	sld [smem:$0x3FA9]  }
0x29: {  	s4 =	sld [smem:$0x3FAB]  }
0x2a: {  	p0 =	seq.s32 s5, $0x0;
	s5 =	sld [smem:$0x3FAC]  }
0x2b: {  	s6 =	sld [smem:$0x3FAD]  }
0x2c: {  	s7 =	sld [smem:$0x3FAE]  }
0x2d: {  	s3 =	simm.s32 $0x108;
	s8 =	sld [smem:$0x3FAF]  }
0x2e: {  	s3 =	simm.s32 @!p0 $0x1082;
	s9 =	sld [smem:$0x3FB0]  }
0x2f: {  	lr =	sadd.s32 s0, s3;
	s0 =	sld [smem:$0x3FA7]  }
0x30: {  	s3 =	sld [smem:$0x3FAA]  }
0x31: {  	[smem:$0x3FB3] =	sst s10  }
0x32: {  	s10 =	sld [smem:$0x3FB1];
	_ =	sdelay $0x3  }
0x33: {  	p0 =	seq.s32 s10, $0x1;
	s10 =	sld [smem:$0x3FB3];
	_ =	sdelay $0x3  }
0x34: {  	[smem:$0x3FB3] =	sst s10  }
0x35: {  	s10 =	sld [smem:$0x3FB2];
	_ =	sdelay $0x3  }
0x36: {  	p1 =	seq.s32 s10, $0x1;
	s10 =	sld [smem:$0x3FB3];
	_ =	sdelay $0x3  }
0x37: {  	[smem:$0x3FB3] =	sst s10  }
0x38: {  	s10 =	sld [smem:$0x3FB4]  }
0x39: {  	_ = 	snop;
	(pc) =	sbr.ind lr, $3  }
0x3a: {  	_ = 	snop  }
0x3b: {  	_ = 	snop  }
0x3c: {  	p2 =	seq.s32 s10, $0x1;
	s10 =	sld [smem:$0x3FB3]  }
0x3d: {  	_ =	shalt  }
0x3e: {  	_ =	shalt  }
0x3f: {  	_ =	shalt  }
0x40: {  	_ =	shalt  }
0x41: {  	_ =	shalt  }
0x42: {  	_ =	shalt  }
0x43: {  	_ =	shalt  }
0x44: {  	_ =	shalt  }
0x45: {  	_ =	shalt  }
0x46: {  	_ =	shalt  }
0x47: {  	_ =	shalt  }
0x48: {  	_ =	shalt  }
0x49: {  	_ =	shalt  }
0x4a: {  	_ =	shalt  }
0x4b: {  	_ =	shalt  }
0x4c: {  	_ =	shalt  }
0x4d: {  	_ =	shalt  }
0x4e: {  	_ =	shalt  }
0x4f: {  	_ =	shalt  }
0x50: {  	_ =	shalt  }
0x51: {  	_ =	shalt  }
0x52: {  	_ =	shalt  }
0x53: {  	_ =	shalt  }
0x54: {  	_ =	shalt  }
0x55: {  	_ =	shalt  }
0x56: {  	_ =	shalt  }
0x57: {  	_ =	shalt  }
0x58: {  	_ =	shalt  }
0x59: {  	_ =	shalt  }
0x5a: {  	_ =	shalt  }
0x5b: {  	_ =	shalt  }
0x5c: {  	_ =	shalt  }
0x5d: {  	_ =	shalt  }
0x5e: {  	_ =	shalt  }
0x5f: {  	_ =	shalt  }
0x60: {  	_ =	shalt  }
0x61: {  	_ =	shalt  }
0x62: {  	_ =	shalt  }
0x63: {  	_ =	shalt  }
0x64: {  	_ =	shalt  }
0x65: {  	_ =	shalt  }
0x66: {  	_ =	shalt  }
0x67: {  	_ =	shalt  }
0x68: {  	_ =	shalt  }
0x69: {  	_ =	shalt  }
0x6a: {  	_ =	shalt  }
0x6b: {  	_ =	shalt  }
0x6c: {  	_ =	shalt  }
0x6d: {  	_ =	shalt  }
0x6e: {  	_ =	shalt  }
0x6f: {  	_ =	shalt  }
0x70: {  	_ =	shalt  }
0x71: {  	_ =	shalt  }
0x72: {  	_ =	shalt  }
0x73: {  	_ =	shalt  }
0x74: {  	_ =	shalt  }
0x75: {  	_ =	shalt  }
0x76: {  	_ =	shalt  }
0x77: {  	_ =	shalt  }
0x78: {  	_ =	shalt  }
0x79: {  	_ =	shalt  }
0x7a: {  	_ =	shalt  }
0x7b: {  	_ =	shalt  }
0x7c: {  	_ =	shalt  }
0x7d: {  	_ =	shalt  }
0x7e: {  	_ =	shalt  }
0x7f: {  	_ =	shalt  }
0x80: {  	_ =	shalt  }
0x81: {  	_ =	shalt  }
0x82: {  	_ =	shalt  }
0x83: {  	_ =	shalt  }
0x84: {  	_ =	shalt  }
0x85: {  	_ =	shalt  }
0x86: {  	_ =	shalt  }
0x87: {  	_ =	shalt  }
.Lfunc_end0:
.L_simem_size_0:
called_computation_lowered:
.L_overlay_start_0:
0x88: {  	s2 =	sld [smem:$0x3FD9]  }
0x89: {  	s3 =	sld [smem:$0x3FFE];
	_ =	sdelay $0x1  }
0x8a: {  	s1 =	srdreg.scid  }
0x8b: {  	s0 =	sand.u32 $0x1, s1  }
0x8c: {  	s17 =	sshll.u32 s0, $0xA;
	s2 =	sadd.s32 s3, s2  }
0x8d: {  	s2 =	sadd.s32 s2, s17  }
0x8e: {  	[smem:$0x3FBF] =	sst s2  }
0x8f: {  	_ = 	snop  }
0x90: {  	s2 =	sld [smem:$0x3FC9]  }
0x91: {  	s18 =	sld [smem:$0x3FC8]  }
0x92: {  	s4 =	sld [smem:$0x3FD0];
	(tm) =	ssettm $0x1  }
0x93: {  	s5 =	sld [smem:$0x3FFB];
	_ =	sdelay $0x3  }
0x94: {  	_ =	strace s5  }
0x95: {  	s5 =	sld [smem:$0x3FFC];
	_ =	sdelay $0x3  }
0x96: {  	_ =	strace s5  }
0x97: {  	s5 =	sld [smem:$0x3FFD];
	_ =	sdelay $0x3  }
0x98: {  	_ =	strace s5  }
0x99: {  	_ =	strace $0x8FFFFFFF  }
0x9a: {  	s19 =	sld [smem:$0x3FDB];
	_ =	sdelay $0x1  }
0x9b: {  	s6 =	simm.s32 $_scs_section_size  }
0x9c: {  	s7 =	simm.s32 $_size__tile_overlayer_lowered;
	s8 =	simm.s32 $_tile_overlayer_lowered  }
0x9d: {  	s22 =	simm.s32 $0x1BFF;
	s21 =	sshll.u32 s8, $0x1;
	s5 =	sadd.s32 s6, s19  }
0x9e: {  	s9 =	simm.s32 $0x0;
	s20 =	sshll.u32 s7, $0x1;
	s7 =	sadd.s32 s21, s5  }
0x9f: {  	[timem:s9], [sflag:s22] =	dma.local [hbm:s7], s20  }
0xa0: {  	_ =	swait.ge [sflag:s22], s20  }
0xa1: {  	s6 =	ssub.s32 $0x0, s20;
	[sflag:s22] =	ssyncset.done $0x0  }
0xa2: {  	[sflag:s22] =	ssyncadd.s32 s6;
	_ =	sdelay $0x1  }
0xa3: {  	s23 =	simm.s32 $0x1B8B  }
0xa4: {  	_ =	swait.ge [sflag:s23], $0x1  }
0xa5: {  	[sflag:s23] =	ssyncset.done $0x0  }
0xa6: {  	s25 =	simm.s32 $0x1B8E;
	s24 =	sld [smem:$0x3FFE];
	[sflag:s23] =	ssyncadd.s32 $0xFFFFFFFF  }
0xa7: {  	s26 =	simm.s32 $execute0_lowered;
	[smem:$0x3FD2] =	sst s25  }
0xa8: {  	s7 =	sshll.u32 s26, $0x1;
	_ =	strace $0x80000046;
	[dreg:$0x1] =	wrdreg $0xFFFFFFFF  }
0xa9: {  	s28 =	simm.s32 $_size_execute0_lowered;
	s5 =	sadd.s32 s5, s7;
	[dreg:$0x0] =	wrdreg $0x0  }
0xaa: {  	s7 =	sshll.u32 s28, $0x1;
	[dreg:$0x2] =	wrdreg s5  }
0xab: {  	[dreg:$0x3] =	wrdreg s7  }
0xac: {  	[dreg:$0x4] =	wrdreg $0xC0  }
0xad: {  	_ =	task [dreg:s9], $0x5FFFF  }
0xae: {  	[dreg:$0x1] =	wrdreg $0xFFFFFFFF  }
0xaf: {  	[dreg:$0x0] =	wrdreg $0x60  }
0xb0: {  	[dreg:$0x2] =	wrdreg s24  }
0xb1: {  	[dreg:$0x3] =	wrdreg s2  }
0xb2: {  	[dreg:$0x4] =	wrdreg s18  }
0xb3: {  	[dreg:$0x5] =	wrdreg s4  }
0xb4: {  	[dreg:$0x6] =	wrdreg $0xA4800  }
0xb5: {  	[dreg:$0x7] =	wrdreg $0x1DD000  }
0xb6: {  	[dreg:$0x8] =	wrdreg $0x9  }
0xb7: {  	_ =	task.clear_ibuf [dreg:s9], $0x9FFFF;
	_ =	strace $0x90000046  }
0xb8: {  	s29 =	simm.s32 $0x9;
	_ =	strace $0x80000048  }
0xb9: {  	_ =	swait.ge [sflag:s29], $0x1  }
0xba: {  	[sflag:s29] =	ssyncadd.s32 $0xFFFFFFFF  }
0xbb: {  	_ =	strace $0x90000048  }
0xbc: {  	_ =	sfence  }
0xbd: {  	s30 =	sld [smem:$0x0];
	_ =	sdelay $0x2  }
0xbe: {  	s31 =	sshll.u32 s1, $0xD;
	s1 =	sshrl.u32 s1, $0x2  }
0xbf: {  	s3 =	sand.u32 $0x4000, s31;
	s1 =	sadd.s32 s1, s30  }
0xc0: {  	s0 =	sor.u32 s3, s0;
	s1 =	sshll.u32 s1, $0x11  }
0xc1: {  	s0 =	sor.u32 s1, s0  }
0xc2: {  	s0 =	sadd.s32 $0x8F2B, s0  }
0xc3: {  	[sflag:s0] =	ssyncadd.remote.s32 $0x1  }
0xc4: {  	_ =	sfence.sel $0xFFFF  }
0xc5: {  	[dreg:$0x0] =	wrdreg $0xFFFFFFFF;
	(pc) =	sbr.abs _section_cstart, $3  }
0xc6: {  	[dreg:$0x1] =	wrdreg $0xFFFFFFFF  }
0xc7: {  	_ =	task.clear_ibuf [dreg:s9], $0x2FFFF;
	_ =	strace $0x9FFFFFFF  }
0xc8: {  	(tm) =	ssettm $0x7FFFFFFF  }
0xc9: {  	_ =	shalt  }
tec
execute0_lowered:
.L_overlay_start_1:
0x0: {  	(tag) =	ssettag $0x1  }
0x1: {  	s0 =	rddreg [dreg:$0x0]  }
0x2: {  	s20 =	rddreg [dreg:$0x2]  }
0x3: {  	s2 =	rddreg [dreg:$0x3]  }
0x4: {  	s3 =	rddreg [dreg:$0x4];
	s5 =	srdreg.scid;
	s6 =	simm.s32 $0x0  }
0x5: {  	s4 =	stileid.u32;
	s31 =	simm.s32 $0x28;
	s30 =	simm.s32 $0x100  }
0x6: {  	s28 =	simm.s32 $0x7C00;
	s29 =	simm.s32 $0x4;
	s5 =	sand.u32 $0x1, s5  }
0x7: {  	[smem:$0x7FF] =	sst s6;
	s10 =	smul.u32 $0x1F400, s4;
	s22 =	sadd.s32 $0xB600, s0  }
0x8: {  	s8 =	sadd.s32 $0x1800, s0;
	s1 =	sadd.s32 $0x15600, s0;
	s12 =	smul.u32 $0x7D000, s4  }
0x9: {  	s25 =	sadd.s32 $0x15400, s0;
	s14 =	smul.u32 $0x3E80, s4;
	p0 =	sgt.u32 s4, $0x9  }
0xa: {  	s9 =	smul.u32 $0x138800, s5;
	_ =	strace $0x80000047;
	[dreg:$0x8] =	wrdreg s1  }
0xb: {  	[dreg:$0x9] =	wrdreg s25;
	s26 =	sshll.u32 s5, $0x4;
	s23 =	smul.u32 $0x271000, s5  }
0xc: {  	s13 =	ssub.s32 $0x2, s5;
	s5 =	smul.u32 $0x27100, s5;
	p2 =	sne.s32 @!p0 s4, $0x0  }
0xd: {  	s15 =	sor.u32 s4, s26;
	s1 =	sshrl.u32 s13, $0x1;
	s12 =	sshrl.u32 s12, $0x2  }
0xe: {  	p1 =	por p2, p0;
	p2 =	por !p2, p0;
	s9 =	sadd.s32 s10, s9  }
0xf: {  	s11 =	smul.u32 $0x2710, s15;
	s10 =	ssub.s32 s13, s1;
	s12 =	sadd.s32 s12, s3  }
0x10: {  	s7 =	smul.u32 $0x138800, s15;
	s15 =	sadd.s32 s2, s14;
	[dreg:$0xa] =	wrdreg s12  }
0x11: {  	s13 =	sadd.s32 s23, s20;
	s9 =	sshrl.u32 s9, $0x3;
	[dreg:$0xb] =	wrdreg s15  }
0x12: {  	s15 =	smul.u32 $0x2710, s4;
	s9 =	sadd.s32 s9, s0;
	s16 =	sshrl.u32 s11, $0x3  }
0x13: {  	s0 =	sadd.s32 s26, s0;
	s19 =	sshrl.u32 s7, $0x3;
	s17 =	sadd.s32 s22, s16  }
0x14: {  	s21 =	sadd.s32 $0x26E8, s11;
	s18 =	sadd.s32 s8, s16;
	[dreg:$0xc] =	wrdreg s17  }
0x15: {  	s26 =	smul.u32 $0x27100, s4;
	s0 =	sadd.s32 $0x15C00, s0;
	[dreg:$0xd] =	wrdreg s18  }
0x16: {  	s2 =	sadd.s32 s20, s19;
	s19 =	smax.u32 s10, $0x1;
	[dreg:$0x13] =	wrdreg s0  }
0x17: {  	s25 =	sshrl.u32 s21, $0x3;
	s24 =	sadd.s32 $0x26C00, s2;
	[dreg:$0x14] =	wrdreg s19  }
0x18: {  	s12 =	sshll.u32 s21, $0x4;
	s7 =	sadd.s32 s22, s25;
	[dreg:$0xe] =	wrdreg s24  }
0x19: {  	s21 =	sadd.s32 s15, s5;
	s16 =	sadd.s32 s8, s25;
	[dreg:$0xf] =	wrdreg s7  }
0x1a: {  	s5 =	simm.s32 $0x9;
	s17 =	sadd.s32 s20, s12;
	[dreg:$0x10] =	wrdreg s16  }
0x1b: {  	s13 =	sadd.s32 s26, s13;
	s18 =	sadd.s32 $0x16600, s9;
	[dreg:$0x11] =	wrdreg s17  }
0x1c: {  	s0 =	sadd.s32 $0xA0, s21;
	[dreg:$0x12] =	wrdreg s18;
	s24 =	sadd.s32 $0x28, s21  }
0x1d: {  	s23 =	sadd.s32 $0x280, s13;
	[dreg:$0x7] =	wrdreg s0;
	s2 =	sshrl.u32 s24, $0x3  }
0x1e: {  	[dreg:$0x15] =	wrdreg s23;
	s24 =	simm.s32 $0x180;
	s25 =	sadd.s32 s2, s8  }
0x1f: {  	s26 =	sadd.s32 s2, s22;
	s2 =	simm.s32 $0x0;
	[dreg:$0x16] =	wrdreg s25  }
0x20: {  	[dreg:$0x17] =	wrdreg s26;
	s25 =	simm.s32 $0x3;
	s26 =	simm.s32 $0x2C00  }
.LBB2_1:
0x21: {  	[dreg:$0x18] =	wrdreg s2;
	s0 =	sshll.u32 @!p0 s4, $0x6  }
0x22: {  	s1 =	sor.u32 @!p0 $0x1C0D, s0;
	s0 =	rddreg [dreg:$0xa]  }
0x23: {  	s2 =	sshrl.u32 @!p0 s0, $0x3;
	s0 =	rddreg [dreg:$0xb]  }
0x24: {  	[dreg:$0x19] =	wrdreg s1  }
0x25: {  	[dreg:$0x1a] =	wrdreg s2  }
0x26: {  	[spmem:s2], [sflag:s1] =	dma.local @!p0 [hbm:s0], $0x3E80  }
0x27: {  	s0 =	simm.s32 @!p0 $0xD  }
0x28: {  	_ =	swait.ge @!p0 [sflag:s0], $0x3E80  }
0x29: {  	[sflag:s0] =	ssyncset.done @!p0 $0x0  }
0x2a: {  	[sflag:s0] =	ssyncadd.s32 @!p0 $0xFFFFC180  }
0x2b: {  	s4 =	rddreg [dreg:$0x5]  }
0x2c: {  	s2 =	simm.s32 @!p1 $0x1C0D;
	s1 =	rddreg [dreg:$0x8];
	s0 =	sshrl.u32 @!p1 s4, $0x3  }
0x2d: {  	[spmem:s0], [sflag:s2] =	dma.local @!p1 [hbm:s1], $0x4F0  }
0x2e: {  	s0 =	simm.s32 @!p1 $0xD  }
0x2f: {  	_ =	swait.ge @!p1 [sflag:s0], $0x4F0  }
0x30: {  	s16 =	simm.s32 $0xA400;
	[sflag:s0] =	ssyncset.done @!p1 $0x0  }
0x31: {  	s12 =	simm.s32 $0xD;
	s10 =	rddreg [dreg:$0x9];
	[sflag:s0] =	ssyncadd.s32 @!p1 $0xFFFFFB10  }
0x32: {  	[tilespmem:s16], [sflag:$0xD] =	stream.linear.gather [hbm4b:s10+s6], $0x80, $0x38;
	[tilespmem:$0x1DF78] =	vst v63  }
0x33: {  	_ =	swait.ge [sflag:s12], $0x80  }
0x34: {  	[sflag:s12] =	ssyncset.done $0x0  }
0x35: {  	[sflag:s12] =	ssyncadd.s32 $0xFFFFFF80  }
0x36: {  	[bflag:$0x0] =	sbarrier.arrive $0xFFFF  }
0x37: {  	s13 =	rddreg [dreg:$0xc]  }
0x38: {  	[tilespmem:s6], [sflag:$0x1] =	stream.linear.gather [hbm4b:s13+s6], $0x28, $0x38;
	[tilespmem:$0x1DF78] =	vst v63  }
0x39: {  	s17 =	simm.s32 $0x200;
	s15 =	simm.s32 $0x1;
	s14 =	rddreg [dreg:$0xd]  }
0x3a: {  	[tilespmem:s17], [sflag:$0x1] =	stream.linear.gather [hbm4b:s14+s6], $0x28, $0x38;
	[tilespmem:$0x1DF78] =	vst v63  }
0x3b: {  	_ =	swait.ge [sflag:s15], $0x28  }
0x3c: {  	[sflag:s15] =	ssyncset.done $0x0  }
0x3d: {  	[sflag:s15] =	ssyncadd.s32 $0xFFFFFFD8  }
0x3e: {  	_ =	swait.ge [sflag:s15], $0x28  }
0x3f: {  	[sflag:s15] =	ssyncset.done $0x0  }
0x40: {  	s12 =	rddreg [dreg:$0x15];
	[sflag:s15] =	ssyncadd.s32 $0xFFFFFFD8  }
0x41: {  	s7 =	simm.s32 $0x400;
	p3 =	por $0x1, $0x1;
	s1 =	rddreg [dreg:$0x1]  }
0x42: {  	[tilespmem:s7], [sflag:$0x5] =	stream.indirect.gather [hbm4b:s1+s31], $0x80, s6, s31, $0xb8;
	[tilespmem:$0x1DF78] =	vst v63  }
0x43: {  	s0 =	simm.s32 @!p3 $0xA;
	s13 =	simm.s32 $0x5400;
	s18 =	sadd.s32 $0xFFFFFD80, s12  }
0x44: {  	[tilespmem:s13], [sflag:$0x5] =	stream.linear.gather [hbm4b:s18+s6], $0x1400, $0x38;
	[tilespmem:$0x1DF78] =	vst v63  }
0x45: {  	_ =	swait.ge @!p3 [sflag:s0], $0x1400  }
0x46: {  	[sflag:s0] =	ssyncset.done @!p3 $0x0  }
0x47: {  	[sflag:s0] =	ssyncadd.s32 @!p3 $0xFFFFEC00  }
0x48: {  	_ =	swait.ge @!p3 [sflag:s0], $0x1400  }
0x49: {  	[sflag:s0] =	ssyncset.done @!p3 $0x0  }
0x4a: {  	[sflag:s0] =	ssyncadd.s32 @!p3 $0xFFFFEC00  }
0x4b: {  	_ =	swait.ge @!p3 [sflag:s0], $0x28  }
0x4c: {  	[sflag:s0] =	ssyncset.done @!p3 $0x0  }
0x4d: {  	s21 =	simm.s32 $0x80;
	s15 =	rddreg [dreg:$0x17];
	[sflag:s0] =	ssyncadd.s32 @!p3 $0xFFFFFFD8  }
0x4e: {  	[tilespmem:s21], [sflag:$0x2] =	stream.linear.gather [hbm4b:s15+s6], $0x28, $0x38;
	[tilespmem:$0x1DF78] =	vst v63  }
0x4f: {  	s18 =	simm.s32 $0x280;
	s14 =	rddreg [dreg:$0x16];
	s0 =	simm.s32 @!p3 $0x8  }
0x50: {  	[tilespmem:s18], [sflag:$0x2] =	stream.linear.gather [hbm4b:s14+s6], $0x28, $0x38;
	[tilespmem:$0x1DF78] =	vst v63  }
0x51: {  	_ =	swait.ge @!p3 [sflag:s0], $0x1400  }
0x52: {  	[sflag:s0] =	ssyncset.done @!p3 $0x0  }
0x53: {  	[sflag:s0] =	ssyncadd.s32 @!p3 $0xFFFFEC00  }
0x54: {  	_ =	swait.ge @!p3 [sflag:s0], $0x1400  }
0x55: {  	s9 =	simm.s32 @!p3 $0x28;
	[sflag:s0] =	ssyncset.done @!p3 $0x0  }
0x56: {  	s2 =	simm.s32 @!p3 $0x4000;
	s10 =	simm.s32 @!p3 $0x380;
	[sflag:s0] =	ssyncadd.s32 @!p3 $0xFFFFEC00  }
0x57: {  	[spmem:s3] =	stream.indirect.scatter.add.f32 @!p3 [tilespmem:s2], [sflag:$0xC], $0x80, s10, s9, $0xb8;
	[tilespmem:$0x1DF78] =	vst v63  }
0x58: {  	s0 =	simm.s32 @!p3 $0x9000  }
0x59: {  	[spmem:s3] =	stream.indirect.scatter.add.f32 @!p3 [tilespmem:s0], [sflag:$0xC], $0x80, s10, s9, $0xb8;
	[tilespmem:$0x1DF78] =	vst v63  }
0x5a: {  	s19 =	simm.s32 $0x2;
	s0 =	simm.s32 @!p3 $0xA400  }
0x5b: {  	[spmem:s4] =	stream.indirect.scatter.add.f32 @!p3 [tilespmem:s0], [sflag:$0xC], $0x1, s10, s9, $0xb8;
	[tilespmem:$0x1DF78] =	vst v63  }
0x5c: {  	_ =	swait.ge [sflag:s19], $0x28  }
0x5d: {  	[sflag:s19] =	ssyncset.done $0x0  }
0x5e: {  	[sflag:s19] =	ssyncadd.s32 $0xFFFFFFD8  }
0x5f: {  	_ =	swait.ge [sflag:s19], $0x28  }
0x60: {  	[sflag:s19] =	ssyncset.done $0x0  }
0x61: {  	[sflag:s19] =	ssyncadd.s32 $0xFFFFFFD8;
	s19 =	simm.s32 $0x1800  }
0x62: {  	[tilespmem:s19], [sflag:$0x6] =	stream.indirect.gather [hbm4b:s1+s31], $0x80, s21, s31, $0xb8;
	[tilespmem:$0x1DF78] =	vst v63  }
0x63: {  	s0 =	simm.s32 @!p3 $0xB;
	s21 =	simm.s32 $0x6800  }
0x64: {  	[tilespmem:s21], [sflag:$0x6] =	stream.linear.gather [hbm4b:s12+s6], $0x1400, $0x38;
	[tilespmem:$0x1DF78] =	vst v63  }
0x65: {  	_ =	swait.ge @!p3 [sflag:s0], $0x1400  }
0x66: {  	[sflag:s0] =	ssyncset.done @!p3 $0x0  }
0x67: {  	[sflag:s0] =	ssyncadd.s32 @!p3 $0xFFFFEC00  }
0x68: {  	_ =	swait.ge @!p3 [sflag:s0], $0x1400  }
0x69: {  	s2 =	simm.s32 @!p3 $0x50;
	[sflag:s0] =	ssyncset.done @!p3 $0x0  }
0x6a: {  	s2 =	simm.s32 @p3 $0x50;
	[sflag:s0] =	ssyncadd.s32 @!p3 $0xFFFFEC00  }
0x6b: {  	s2 =	sadd.s32 s11, s2;
	_ =	swait.ge @!p3 [sflag:s0], $0x28  }
0x6c: {  	s9 =	sshrl.u32 s2, $0x3;
	[sflag:s0] =	ssyncset.done @!p3 $0x0  }
0x6d: {  	s23 =	sadd.s32 s22, s9;
	[sflag:s0] =	ssyncadd.s32 @!p3 $0xFFFFFFD8  }
0x6e: {  	[tilespmem:s30], [sflag:$0x3] =	stream.linear.gather [hbm4b:s23+s6], $0x28, $0x38;
	[tilespmem:$0x1DF78] =	vst v63  }
0x6f: {  	s10 =	simm.s32 $0x5;
	s9 =	sadd.s32 s8, s9;
	s23 =	simm.s32 $0x300  }
0x70: {  	[tilespmem:s23], [sflag:$0x3] =	stream.linear.gather [hbm4b:s9+s6], $0x28, $0x38;
	[tilespmem:$0x1DF78] =	vst v63  }
0x71: {  	_ =	swait.ge [sflag:s10], $0x1400  }
0x72: {  	[sflag:s10] =	ssyncset.done $0x0  }
0x73: {  	[sflag:s10] =	ssyncadd.s32 $0xFFFFEC00  }
0x74: {  	_ =	swait.ge [sflag:s10], $0x1400  }
0x75: {  	[sflag:s10] =	ssyncset.done $0x0  }
0x76: {  	[sflag:s10] =	ssyncadd.s32 $0xFFFFEC00  }
0x77: {  	[spmem:s3] =	stream.indirect.scatter.add.f32 [tilespmem:s7], [sflag:$0x9], $0x80, s17, s31, $0xb8;
	[tilespmem:$0x1DF78] =	vst v63  }
0x78: {  	_ = 	snop  }
0x79: {  	[spmem:s3] =	stream.indirect.scatter.add.f32 [tilespmem:s13], [sflag:$0x9], $0x80, s17, s31, $0xb8;
	[tilespmem:$0x1DF78] =	vst v63  }
0x7a: {  	_ = 	snop  }
0x7b: {  	[spmem:s4] =	stream.indirect.scatter.add.f32 [tilespmem:s16], [sflag:$0x9], $0x1, s17, s31, $0xb8;
	[tilespmem:$0x1DF78] =	vst v63  }
0x7c: {  	_ =	swait.ge [sflag:s25], $0x28  }
0x7d: {  	[sflag:s25] =	ssyncset.done $0x0  }
0x7e: {  	[sflag:s25] =	ssyncadd.s32 $0xFFFFFFD8  }
0x7f: {  	_ =	swait.ge [sflag:s25], $0x28  }
0x80: {  	[sflag:s25] =	ssyncset.done $0x0  }
0x81: {  	s13 =	sshll.u32 s2, $0x4;
	[sflag:s25] =	ssyncadd.s32 $0xFFFFFFD8  }
0x82: {  	[tilespmem:s26], [sflag:$0x7] =	stream.indirect.gather [hbm4b:s1+s31], $0x80, s30, s31, $0xb8;
	[tilespmem:$0x1DF78] =	vst v63  }
0x83: {  	s2 =	simm.s32 @!p3 $0xC;
	s0 =	sadd.s32 s20, s13  }
0x84: {  	[tilespmem:s28], [sflag:$0x7] =	stream.linear.gather [hbm4b:s0+s6], $0x1400, $0x38;
	[tilespmem:$0x1DF78] =	vst v63  }
0x85: {  	_ =	swait.ge @!p3 [sflag:s2], $0x1400  }
0x86: {  	[sflag:s2] =	ssyncset.done @!p3 $0x0  }
0x87: {  	[sflag:s2] =	ssyncadd.s32 @!p3 $0xFFFFEC00  }
0x88: {  	_ =	swait.ge @!p3 [sflag:s2], $0x1400  }
0x89: {  	s0 =	simm.s32 @!p3 $0x78;
	[sflag:s2] =	ssyncset.done @!p3 $0x0  }
0x8a: {  	s0 =	simm.s32 @p3 $0x78;
	[sflag:s2] =	ssyncadd.s32 @!p3 $0xFFFFEC00  }
0x8b: {  	s0 =	sadd.s32 s11, s0;
	_ =	swait.ge @!p3 [sflag:s2], $0x28  }
0x8c: {  	s30 =	sshrl.u32 s0, $0x3;
	[sflag:s2] =	ssyncset.done @!p3 $0x0  }
0x8d: {  	s7 =	sadd.s32 s22, s30;
	[sflag:s2] =	ssyncadd.s32 @!p3 $0xFFFFFFD8  }
0x8e: {  	[tilespmem:s24], [sflag:$0x4] =	stream.linear.gather [hbm4b:s7+s6], $0x28, $0x38;
	[tilespmem:$0x1DF78] =	vst v63  }
0x8f: {  	s10 =	simm.s32 $0x380;
	s13 =	simm.s32 $0x6;
	s9 =	sadd.s32 s8, s30  }
0x90: {  	[tilespmem:s10], [sflag:$0x4] =	stream.linear.gather [hbm4b:s9+s6], $0x28, $0x38;
	[tilespmem:$0x1DF78] =	vst v63  }
0x91: {  	_ =	swait.ge [sflag:s13], $0x1400  }
0x92: {  	[sflag:s13] =	ssyncset.done $0x0  }
0x93: {  	[sflag:s13] =	ssyncadd.s32 $0xFFFFEC00  }
0x94: {  	_ =	swait.ge [sflag:s13], $0x1400  }
0x95: {  	[sflag:s13] =	ssyncset.done $0x0  }
0x96: {  	[sflag:s13] =	ssyncadd.s32 $0xFFFFEC00  }
0x97: {  	[spmem:s3] =	stream.indirect.scatter.add.f32 [tilespmem:s19], [sflag:$0xA], $0x80, s18, s31, $0xb8;
	[tilespmem:$0x1DF78] =	vst v63  }
0x98: {  	_ = 	snop  }
0x99: {  	[spmem:s3] =	stream.indirect.scatter.add.f32 [tilespmem:s21], [sflag:$0xA], $0x80, s18, s31, $0xb8;
	[tilespmem:$0x1DF78] =	vst v63  }
0x9a: {  	_ = 	snop  }
0x9b: {  	[spmem:s4] =	stream.indirect.scatter.add.f32 [tilespmem:s16], [sflag:$0xA], $0x1, s18, s31, $0xb8;
	[tilespmem:$0x1DF78] =	vst v63  }
0x9c: {  	_ =	swait.ge [sflag:s29], $0x28  }
0x9d: {  	[sflag:s29] =	ssyncset.done $0x0  }
0x9e: {  	[sflag:s29] =	ssyncadd.s32 $0xFFFFFFD8  }
0x9f: {  	_ =	swait.ge [sflag:s29], $0x28  }
0xa0: {  	[sflag:s29] =	ssyncset.done $0x0  }
0xa1: {  	s0 =	sshll.u32 s0, $0x4;
	s21 =	simm.s32 $0x4000;
	[sflag:s29] =	ssyncadd.s32 $0xFFFFFFD8  }
0xa2: {  	[tilespmem:s21], [sflag:$0x8] =	stream.indirect.gather [hbm4b:s1+s31], $0x80, s24, s31, $0xb8;
	[tilespmem:$0x1DF78] =	vst v63  }
0xa3: {  	s25 =	simm.s32 $0x9000;
	s0 =	sadd.s32 s20, s0  }
0xa4: {  	[tilespmem:s25], [sflag:$0x8] =	stream.linear.gather [hbm4b:s0+s6], $0x1400, $0x38;
	[tilespmem:$0x1DF78] =	vst v63  }
0xa5: {  	_ =	swait.ge [sflag:s5], $0x1400  }
0xa6: {  	[sflag:s5] =	ssyncset.done $0x0  }
0xa7: {  	[sflag:s5] =	ssyncadd.s32 $0xFFFFEC00  }
0xa8: {  	_ =	swait.ge [sflag:s5], $0x1400  }
0xa9: {  	[sflag:s5] =	ssyncset.done $0x0  }
0xaa: {  	[sflag:s5] =	ssyncadd.s32 $0xFFFFEC00  }
0xab: {  	_ =	swait.ge [sflag:s5], $0x28  }
0xac: {  	s29 =	rddreg [dreg:$0x7]  }
0xad: {  	s0 =	sadd.s32 $0x0, s29  }
0xae: {  	[sflag:s5] =	ssyncset.done $0x0;
	s0 =	sshrl.u32 s0, $0x3  }
0xaf: {  	[sflag:s5] =	ssyncadd.s32 $0xFFFFFFD8;
	s30 =	sadd.s32 s22, s0  }
0xb0: {  	[tilespmem:s6], [sflag:$0x1] =	stream.linear.gather [hbm4b:s30+s6], $0x28, $0x38;
	[tilespmem:$0x1DF78] =	vst v63  }
0xb1: {  	s24 =	simm.s32 $0x7;
	s0 =	sadd.s32 s8, s0  }
0xb2: {  	[tilespmem:s17], [sflag:$0x1] =	stream.linear.gather [hbm4b:s0+s6], $0x28, $0x38;
	[tilespmem:$0x1DF78] =	vst v63  }
0xb3: {  	_ =	swait.ge [sflag:s24], $0x1400  }
0xb4: {  	[sflag:s24] =	ssyncset.done $0x0  }
0xb5: {  	[sflag:s24] =	ssyncadd.s32 $0xFFFFEC00  }
0xb6: {  	_ =	swait.ge [sflag:s24], $0x1400  }
0xb7: {  	p4 =	por @!p1 $0x1, $0x1;
	p3 =	por @!p0 $0x0, $0x0;
	[sflag:s24] =	ssyncset.done $0x0  }
0xb8: {  	p4 =	por @!p2 p3, p3;
	p3 =	por $0x0, $0x0;
	[sflag:s24] =	ssyncadd.s32 $0xFFFFEC00  }
0xb9: {  	[spmem:s3] =	stream.indirect.scatter.add.f32 [tilespmem:s26], [sflag:$0xB], $0x80, s23, s31, $0xb8;
	[tilespmem:$0x1DF78] =	vst v63  }
0xba: {  	s2 =	sadd.s32 $0x14, s15;
	p3 =	por @!p0 p4, p4;
	s9 =	smov.u32 s14  }
0xbb: {  	[spmem:s3] =	stream.indirect.scatter.add.f32 [tilespmem:s28], [sflag:$0xB], $0x80, s23, s31, $0xb8;
	[tilespmem:$0x1DF78] =	vst v63  }
0xbc: {  	s25 =	simm.s32 $0x3;
	s0 =	smov.u32 s12;
	s23 =	simm.s32 $0xA0  }
.LBB2_2:
0xbd: {  	s29 =	rddreg [dreg:$0x5]  }
0xbe: {  	s17 =	simm.s32 $0xA400;
	s28 =	simm.s32 $0x300;
	s1 =	simm.s32 $0x1  }
0xbf: {  	[spmem:s29] =	stream.indirect.scatter.add.f32 [tilespmem:s17], [sflag:$0xB], $0x1, s28, s31, $0xb8;
	[tilespmem:$0x1DF78] =	vst v63  }
0xc0: {  	_ =	swait.ge [sflag:s1], $0x28  }
0xc1: {  	[sflag:s1] =	ssyncset.done $0x0  }
0xc2: {  	[sflag:s1] =	ssyncadd.s32 $0xFFFFFFD8  }
0xc3: {  	_ =	swait.ge [sflag:s1], $0x28  }
0xc4: {  	[sflag:s1] =	ssyncset.done $0x0  }
0xc5: {  	s0 =	sadd.s32 $0xA00, s0;
	s10 =	smov.u32 s23;
	[sflag:s1] =	ssyncadd.s32 $0xFFFFFFD8  }
0xc6: {  	s7 =	simm.s32 $0x400;
	p5 =	seq.s32 s10, $0x0;
	s4 =	rddreg [dreg:$0x1]  }
0xc7: {  	[tilespmem:s7], [sflag:$0x5] =	stream.indirect.gather [hbm4b:s4+s31], $0x80, s6, s31, $0xb8;
	[tilespmem:$0x1DF78] =	vst v63  }
0xc8: {  	s13 =	simm.s32 $0x5400;
	s14 =	sadd.s32 $0xFFFFFD80, s0;
	s21 =	simm.s32 @!p5 $0xA  }
0xc9: {  	[tilespmem:s13], [sflag:$0x5] =	stream.linear.gather [hbm4b:s14+s6], $0x1400, $0x38;
	[tilespmem:$0x1DF78] =	vst v63  }
0xca: {  	_ =	swait.ge @!p5 [sflag:s21], $0x1400  }
0xcb: {  	[sflag:s21] =	ssyncset.done @!p5 $0x0  }
0xcc: {  	s9 =	sadd.s32 $0x14, s9;
	[sflag:s21] =	ssyncadd.s32 @!p5 $0xFFFFEC00  }
0xcd: {  	s12 =	smov.u32 s11;
	s15 =	sadd.s32 @!p5 $0x78, s10;
	_ =	swait.ge @!p5 [sflag:s21], $0x1400  }
0xce: {  	s18 =	simm.s32 $0x80;
	s15 =	simm.s32 @p5 $0x78;
	[sflag:s21] =	ssyncset.done @!p5 $0x0  }
0xcf: {  	s19 =	sadd.s32 s11, s15;
	s14 =	sadd.s32 @!p5 $0x50, s10;
	[sflag:s21] =	ssyncadd.s32 @!p5 $0xFFFFEC00  }
0xd0: {  	s15 =	sshrl.u32 s19, $0x3;
	s14 =	simm.s32 @p5 $0x50;
	_ =	swait.ge @!p5 [sflag:s21], $0x28  }
0xd1: {  	s14 =	sadd.s32 s11, s14;
	s11 =	smov.u32 s20;
	[sflag:s21] =	ssyncset.done @!p5 $0x0  }
0xd2: {  	s20 =	sshrl.u32 s14, $0x3;
	s16 =	sshll.u32 s14, $0x4;
	[sflag:s21] =	ssyncadd.s32 @!p5 $0xFFFFFFD8  }
0xd3: {  	[tilespmem:s18], [sflag:$0x2] =	stream.linear.gather [hbm4b:s2+s6], $0x28, $0x38;
	[tilespmem:$0x1DF78] =	vst v63  }
0xd4: {  	s14 =	sshll.u32 s19, $0x4;
	s19 =	simm.s32 $0x280;
	s21 =	simm.s32 @!p5 $0x8  }
0xd5: {  	[tilespmem:s19], [sflag:$0x2] =	stream.linear.gather [hbm4b:s9+s6], $0x28, $0x38;
	[tilespmem:$0x1DF78] =	vst v63  }
0xd6: {  	_ =	swait.ge @!p5 [sflag:s21], $0x1400  }
0xd7: {  	[sflag:s21] =	ssyncset.done @!p5 $0x0  }
0xd8: {  	[sflag:s21] =	ssyncadd.s32 @!p5 $0xFFFFEC00  }
0xd9: {  	s30 =	smov.u32 s8;
	_ =	swait.ge @!p5 [sflag:s21], $0x1400  }
0xda: {  	s8 =	smov.u32 s22;
	s22 =	simm.s32 @!p5 $0x4000;
	[sflag:s21] =	ssyncset.done @!p5 $0x0  }
0xdb: {  	s26 =	simm.s32 @!p5 $0x28;
	s1 =	simm.s32 @!p5 $0x380;
	[sflag:s21] =	ssyncadd.s32 @!p5 $0xFFFFEC00  }
0xdc: {  	[spmem:s3] =	stream.indirect.scatter.add.f32 @!p5 [tilespmem:s22], [sflag:$0xC], $0x80, s1, s26, $0xb8;
	[tilespmem:$0x1DF78] =	vst v63  }
0xdd: {  	s21 =	simm.s32 @!p5 $0x9000  }
0xde: {  	[spmem:s3] =	stream.indirect.scatter.add.f32 @!p5 [tilespmem:s21], [sflag:$0xC], $0x80, s1, s26, $0xb8;
	[tilespmem:$0x1DF78] =	vst v63  }
0xdf: {  	s22 =	simm.s32 @!p5 $0xA400  }
0xe0: {  	[spmem:s29] =	stream.indirect.scatter.add.f32 @!p5 [tilespmem:s22], [sflag:$0xC], $0x1, s1, s26, $0xb8;
	[tilespmem:$0x1DF78] =	vst v63  }
0xe1: {  	s26 =	simm.s32 $0x2  }
0xe2: {  	_ =	swait.ge [sflag:s26], $0x28  }
0xe3: {  	[sflag:s26] =	ssyncset.done $0x0  }
0xe4: {  	[sflag:s26] =	ssyncadd.s32 $0xFFFFFFD8  }
0xe5: {  	_ =	swait.ge [sflag:s26], $0x28  }
0xe6: {  	[sflag:s26] =	ssyncset.done $0x0  }
0xe7: {  	[sflag:s26] =	ssyncadd.s32 $0xFFFFFFD8;
	s26 =	simm.s32 $0x1800  }
0xe8: {  	[tilespmem:s26], [sflag:$0x6] =	stream.indirect.gather [hbm4b:s4+s31], $0x80, s18, s31, $0xb8;
	[tilespmem:$0x1DF78] =	vst v63  }
0xe9: {  	s1 =	simm.s32 @!p5 $0xB;
	s18 =	simm.s32 $0x6800  }
0xea: {  	[tilespmem:s18], [sflag:$0x6] =	stream.linear.gather [hbm4b:s0+s6], $0x1400, $0x38;
	[tilespmem:$0x1DF78] =	vst v63  }
0xeb: {  	_ =	swait.ge @!p5 [sflag:s1], $0x1400  }
0xec: {  	[sflag:s1] =	ssyncset.done @!p5 $0x0  }
0xed: {  	[sflag:s1] =	ssyncadd.s32 @!p5 $0xFFFFEC00  }
0xee: {  	_ =	swait.ge @!p5 [sflag:s1], $0x1400  }
0xef: {  	[sflag:s1] =	ssyncset.done @!p5 $0x0  }
0xf0: {  	[sflag:s1] =	ssyncadd.s32 @!p5 $0xFFFFEC00  }
0xf1: {  	_ =	swait.ge @!p5 [sflag:s1], $0x28  }
0xf2: {  	s22 =	smov.u32 s8;
	s8 =	smov.u32 s30;
	[sflag:s1] =	ssyncset.done @!p5 $0x0  }
0xf3: {  	s30 =	simm.s32 $0x100;
	s21 =	sadd.s32 s22, s20;
	[sflag:s1] =	ssyncadd.s32 @!p5 $0xFFFFFFD8  }
0xf4: {  	[tilespmem:s30], [sflag:$0x3] =	stream.linear.gather [hbm4b:s21+s6], $0x28, $0x38;
	[tilespmem:$0x1DF78] =	vst v63  }
0xf5: {  	s1 =	sadd.s32 s8, s20;
	s21 =	simm.s32 $0x5  }
0xf6: {  	[tilespmem:s28], [sflag:$0x3] =	stream.linear.gather [hbm4b:s1+s6], $0x28, $0x38;
	[tilespmem:$0x1DF78] =	vst v63  }
0xf7: {  	_ =	swait.ge [sflag:s21], $0x1400  }
0xf8: {  	[sflag:s21] =	ssyncset.done $0x0  }
0xf9: {  	[sflag:s21] =	ssyncadd.s32 $0xFFFFEC00  }
0xfa: {  	_ =	swait.ge [sflag:s21], $0x1400  }
0xfb: {  	s20 =	smov.u32 s11;
	[sflag:s21] =	ssyncset.done $0x0  }
0xfc: {  	s11 =	smov.u32 s12;
	s12 =	simm.s32 $0x200;
	[sflag:s21] =	ssyncadd.s32 $0xFFFFEC00  }
0xfd: {  	[spmem:s3] =	stream.indirect.scatter.add.f32 [tilespmem:s7], [sflag:$0x9], $0x80, s12, s31, $0xb8;
	[tilespmem:$0x1DF78] =	vst v63  }
0xfe: {  	_ = 	snop  }
0xff: {  	[spmem:s3] =	stream.indirect.scatter.add.f32 [tilespmem:s13], [sflag:$0x9], $0x80, s12, s31, $0xb8;
	[tilespmem:$0x1DF78] =	vst v63  }
0x100: {  	_ = 	snop  }
0x101: {  	[spmem:s29] =	stream.indirect.scatter.add.f32 [tilespmem:s17], [sflag:$0x9], $0x1, s12, s31, $0xb8;
	[tilespmem:$0x1DF78] =	vst v63  }
0x102: {  	_ =	swait.ge [sflag:s25], $0x28  }
0x103: {  	[sflag:s25] =	ssyncset.done $0x0  }
0x104: {  	[sflag:s25] =	ssyncadd.s32 $0xFFFFFFD8  }
0x105: {  	_ =	swait.ge [sflag:s25], $0x28  }
0x106: {  	[sflag:s25] =	ssyncset.done $0x0  }
0x107: {  	s13 =	simm.s32 $0x2C00;
	[sflag:s25] =	ssyncadd.s32 $0xFFFFFFD8  }
0x108: {  	[tilespmem:s13], [sflag:$0x7] =	stream.indirect.gather [hbm4b:s4+s31], $0x80, s30, s31, $0xb8;
	[tilespmem:$0x1DF78] =	vst v63  }
0x109: {  	s21 =	simm.s32 $0x7C00;
	s7 =	sadd.s32 s20, s16;
	s16 =	simm.s32 @!p5 $0xC  }
0x10a: {  	[tilespmem:s21], [sflag:$0x7] =	stream.linear.gather [hbm4b:s7+s6], $0x1400, $0x38;
	[tilespmem:$0x1DF78] =	vst v63  }
0x10b: {  	_ =	swait.ge @!p5 [sflag:s16], $0x1400  }
0x10c: {  	[sflag:s16] =	ssyncset.done @!p5 $0x0  }
0x10d: {  	[sflag:s16] =	ssyncadd.s32 @!p5 $0xFFFFEC00  }
0x10e: {  	_ =	swait.ge @!p5 [sflag:s16], $0x1400  }
0x10f: {  	[sflag:s16] =	ssyncset.done @!p5 $0x0  }
0x110: {  	[sflag:s16] =	ssyncadd.s32 @!p5 $0xFFFFEC00  }
0x111: {  	_ =	swait.ge @!p5 [sflag:s16], $0x28  }
0x112: {  	[sflag:s16] =	ssyncset.done @!p5 $0x0  }
0x113: {  	s7 =	sadd.s32 s22, s15;
	[sflag:s16] =	ssyncadd.s32 @!p5 $0xFFFFFFD8;
	s16 =	simm.s32 $0x180  }
0x114: {  	[tilespmem:s16], [sflag:$0x4] =	stream.linear.gather [hbm4b:s7+s6], $0x28, $0x38;
	[tilespmem:$0x1DF78] =	vst v63  }
0x115: {  	s15 =	sadd.s32 s8, s15;
	s21 =	simm.s32 $0x380;
	s7 =	simm.s32 $0x6  }
0x116: {  	[tilespmem:s21], [sflag:$0x4] =	stream.linear.gather [hbm4b:s15+s6], $0x28, $0x38;
	[tilespmem:$0x1DF78] =	vst v63  }
0x117: {  	_ =	swait.ge [sflag:s7], $0x1400  }
0x118: {  	[sflag:s7] =	ssyncset.done $0x0  }
0x119: {  	[sflag:s7] =	ssyncadd.s32 $0xFFFFEC00  }
0x11a: {  	_ =	swait.ge [sflag:s7], $0x1400  }
0x11b: {  	[sflag:s7] =	ssyncset.done $0x0  }
0x11c: {  	[sflag:s7] =	ssyncadd.s32 $0xFFFFEC00  }
0x11d: {  	[spmem:s3] =	stream.indirect.scatter.add.f32 [tilespmem:s26], [sflag:$0xA], $0x80, s19, s31, $0xb8;
	[tilespmem:$0x1DF78] =	vst v63  }
0x11e: {  	_ = 	snop  }
0x11f: {  	[spmem:s3] =	stream.indirect.scatter.add.f32 [tilespmem:s18], [sflag:$0xA], $0x80, s19, s31, $0xb8;
	[tilespmem:$0x1DF78] =	vst v63  }
0x120: {  	_ = 	snop  }
0x121: {  	[spmem:s29] =	stream.indirect.scatter.add.f32 [tilespmem:s17], [sflag:$0xA], $0x1, s19, s31, $0xb8;
	[tilespmem:$0x1DF78] =	vst v63  }
0x122: {  	s29 =	simm.s32 $0x4  }
0x123: {  	_ =	swait.ge [sflag:s29], $0x28  }
0x124: {  	[sflag:s29] =	ssyncset.done $0x0  }
0x125: {  	[sflag:s29] =	ssyncadd.s32 $0xFFFFFFD8  }
0x126: {  	_ =	swait.ge [sflag:s29], $0x28  }
0x127: {  	[sflag:s29] =	ssyncset.done $0x0  }
0x128: {  	s17 =	simm.s32 $0x4000;
	[sflag:s29] =	ssyncadd.s32 $0xFFFFFFD8  }
0x129: {  	[tilespmem:s17], [sflag:$0x8] =	stream.indirect.gather [hbm4b:s4+s31], $0x80, s16, s31, $0xb8;
	[tilespmem:$0x1DF78] =	vst v63  }
0x12a: {  	s15 =	sadd.s32 s20, s14;
	s18 =	simm.s32 $0x9000  }
0x12b: {  	[tilespmem:s18], [sflag:$0x8] =	stream.linear.gather [hbm4b:s15+s6], $0x1400, $0x38;
	[tilespmem:$0x1DF78] =	vst v63  }
0x12c: {  	_ =	swait.ge [sflag:s5], $0x1400  }
0x12d: {  	[sflag:s5] =	ssyncset.done $0x0  }
0x12e: {  	[sflag:s5] =	ssyncadd.s32 $0xFFFFEC00  }
0x12f: {  	_ =	swait.ge [sflag:s5], $0x1400  }
0x130: {  	[sflag:s5] =	ssyncset.done $0x0  }
0x131: {  	[sflag:s5] =	ssyncadd.s32 $0xFFFFEC00  }
0x132: {  	_ =	swait.ge [sflag:s5], $0x28  }
0x133: {  	s19 =	rddreg [dreg:$0x7]  }
0x134: {  	s1 =	sadd.s32 s10, s19  }
0x135: {  	[sflag:s5] =	ssyncset.done $0x0;
	s1 =	sshrl.u32 s1, $0x3  }
0x136: {  	[sflag:s5] =	ssyncadd.s32 $0xFFFFFFD8;
	s21 =	sadd.s32 s22, s1  }
0x137: {  	[tilespmem:s6], [sflag:$0x1] =	stream.linear.gather [hbm4b:s21+s6], $0x28, $0x38;
	[tilespmem:$0x1DF78] =	vst v63  }
0x138: {  	s1 =	sadd.s32 s8, s1  }
0x139: {  	[tilespmem:s12], [sflag:$0x1] =	stream.linear.gather [hbm4b:s1+s6], $0x28, $0x38;
	[tilespmem:$0x1DF78] =	vst v63  }
0x13a: {  	_ =	swait.ge [sflag:s24], $0x1400  }
0x13b: {  	[sflag:s24] =	ssyncset.done $0x0  }
0x13c: {  	[sflag:s24] =	ssyncadd.s32 $0xFFFFEC00  }
0x13d: {  	s23 =	sadd.s32 $0xA0, s23;
	_ =	swait.ge [sflag:s24], $0x1400  }
0x13e: {  	p4 =	sne.s32 s23, $0x26C0;
	[sflag:s24] =	ssyncset.done $0x0  }
.Ltmp0:
0x13f: {  	[sflag:s24] =	ssyncadd.s32 $0xFFFFEC00;
	(pc) =	sbr.rel @p4 .LBB2_2-.Ltmp0, $4  }
0x140: {  	[spmem:s3] =	stream.indirect.scatter.add.f32 [tilespmem:s13], [sflag:$0xB], $0x80, s28, s31, $0xb8;
	[tilespmem:$0x1DF78] =	vst v63  }
0x141: {  	s26 =	simm.s32 $0x7C00  }
0x142: {  	[spmem:s3] =	stream.indirect.scatter.add.f32 [tilespmem:s26], [sflag:$0xB], $0x80, s28, s31, $0xb8;
	[tilespmem:$0x1DF78] =	vst v63  }
0x143: {  	s2 =	sadd.s32 $0x14, s2;
	s1 =	simm.s32 $0x300;
	s28 =	simm.s32 $0x7C00  }
0x144: {  	s2 =	rddreg [dreg:$0x5];
	s4 =	simm.s32 $0xA400;
	s0 =	simm.s32 $0x1  }
0x145: {  	[spmem:s2] =	stream.indirect.scatter.add.f32 [tilespmem:s4], [sflag:$0xB], $0x1, s1, s31, $0xb8;
	[tilespmem:$0x1DF78] =	vst v63  }
0x146: {  	_ =	swait.ge [sflag:s0], $0x28  }
0x147: {  	[sflag:s0] =	ssyncset.done $0x0  }
0x148: {  	[sflag:s0] =	ssyncadd.s32 $0xFFFFFFD8  }
0x149: {  	_ =	swait.ge [sflag:s0], $0x28  }
0x14a: {  	[sflag:s0] =	ssyncset.done $0x0  }
0x14b: {  	[sflag:s0] =	ssyncadd.s32 $0xFFFFFFD8  }
0x14c: {  	s7 =	simm.s32 $0x400;
	s0 =	rddreg [dreg:$0x1]  }
0x14d: {  	[tilespmem:s7], [sflag:$0x5] =	stream.indirect.gather [hbm4b:s0+s31], $0x80, s6, s31, $0xb8;
	[tilespmem:$0x1DF78] =	vst v63  }
0x14e: {  	s9 =	simm.s32 $0x5400;
	s14 =	simm.s32 $0xA;
	s19 =	rddreg [dreg:$0xe]  }
0x14f: {  	[tilespmem:s9], [sflag:$0x5] =	stream.linear.gather [hbm4b:s19+s6], $0x1400, $0x38;
	[tilespmem:$0x1DF78] =	vst v63  }
0x150: {  	_ =	swait.ge [sflag:s14], $0x1400  }
0x151: {  	[sflag:s14] =	ssyncset.done $0x0  }
0x152: {  	[sflag:s14] =	ssyncadd.s32 $0xFFFFEC00  }
0x153: {  	_ =	swait.ge [sflag:s14], $0x1400  }
0x154: {  	[sflag:s14] =	ssyncset.done $0x0  }
0x155: {  	[sflag:s14] =	ssyncadd.s32 $0xFFFFEC00  }
0x156: {  	_ =	swait.ge [sflag:s14], $0x28  }
0x157: {  	[sflag:s14] =	ssyncset.done $0x0  }
0x158: {  	s10 =	simm.s32 $0x80;
	s21 =	rddreg [dreg:$0xf];
	[sflag:s14] =	ssyncadd.s32 $0xFFFFFFD8  }
0x159: {  	[tilespmem:s10], [sflag:$0x2] =	stream.linear.gather [hbm4b:s21+s6], $0x28, $0x38;
	[tilespmem:$0x1DF78] =	vst v63  }
0x15a: {  	s12 =	simm.s32 $0x280;
	s24 =	simm.s32 $0x8;
	s23 =	rddreg [dreg:$0x10]  }
0x15b: {  	[tilespmem:s12], [sflag:$0x2] =	stream.linear.gather [hbm4b:s23+s6], $0x28, $0x38;
	[tilespmem:$0x1DF78] =	vst v63  }
0x15c: {  	_ =	swait.ge [sflag:s24], $0x1400  }
0x15d: {  	[sflag:s24] =	ssyncset.done $0x0  }
0x15e: {  	[sflag:s24] =	ssyncadd.s32 $0xFFFFEC00  }
0x15f: {  	_ =	swait.ge [sflag:s24], $0x1400  }
0x160: {  	[sflag:s24] =	ssyncset.done $0x0  }
0x161: {  	s25 =	simm.s32 $0x380;
	s13 =	simm.s32 $0x4000;
	[sflag:s24] =	ssyncadd.s32 $0xFFFFEC00  }
0x162: {  	[spmem:s3] =	stream.indirect.scatter.add.f32 [tilespmem:s13], [sflag:$0xC], $0x80, s25, s31, $0xb8;
	[tilespmem:$0x1DF78] =	vst v63  }
0x163: {  	s26 =	simm.s32 $0x9000  }
0x164: {  	[spmem:s3] =	stream.indirect.scatter.add.f32 [tilespmem:s26], [sflag:$0xC], $0x80, s25, s31, $0xb8;
	[tilespmem:$0x1DF78] =	vst v63  }
0x165: {  	s13 =	simm.s32 $0x2  }
0x166: {  	[spmem:s2] =	stream.indirect.scatter.add.f32 [tilespmem:s4], [sflag:$0xC], $0x1, s25, s31, $0xb8;
	[tilespmem:$0x1DF78] =	vst v63  }
0x167: {  	_ =	swait.ge [sflag:s13], $0x28  }
0x168: {  	[sflag:s13] =	ssyncset.done $0x0  }
0x169: {  	[sflag:s13] =	ssyncadd.s32 $0xFFFFFFD8  }
0x16a: {  	_ =	swait.ge [sflag:s13], $0x28  }
0x16b: {  	[sflag:s13] =	ssyncset.done $0x0  }
0x16c: {  	s15 =	simm.s32 $0x1800;
	[sflag:s13] =	ssyncadd.s32 $0xFFFFFFD8  }
0x16d: {  	[tilespmem:s15], [sflag:$0x6] =	stream.indirect.gather [hbm4b:s0+s31], $0x80, s10, s31, $0xb8;
	[tilespmem:$0x1DF78] =	vst v63  }
0x16e: {  	s17 =	simm.s32 $0x6800;
	s18 =	simm.s32 $0xB;
	s16 =	rddreg [dreg:$0x11]  }
0x16f: {  	[tilespmem:s17], [sflag:$0x6] =	stream.linear.gather [hbm4b:s16+s6], $0x1400, $0x38;
	[tilespmem:$0x1DF78] =	vst v63  }
0x170: {  	_ =	swait.ge [sflag:s18], $0x1400  }
0x171: {  	[sflag:s18] =	ssyncset.done $0x0  }
0x172: {  	[sflag:s18] =	ssyncadd.s32 $0xFFFFEC00  }
0x173: {  	_ =	swait.ge [sflag:s18], $0x1400  }
0x174: {  	[sflag:s18] =	ssyncset.done $0x0  }
0x175: {  	[sflag:s18] =	ssyncadd.s32 $0xFFFFEC00  }
0x176: {  	_ =	swait.ge [sflag:s18], $0x28  }
0x177: {  	[sflag:s18] =	ssyncset.done $0x0  }
0x178: {  	s19 =	simm.s32 $0x5;
	[sflag:s18] =	ssyncadd.s32 $0xFFFFFFD8  }
0x179: {  	_ =	swait.ge [sflag:s19], $0x1400  }
0x17a: {  	[sflag:s19] =	ssyncset.done $0x0  }
0x17b: {  	[sflag:s19] =	ssyncadd.s32 $0xFFFFEC00  }
0x17c: {  	_ =	swait.ge [sflag:s19], $0x1400  }
0x17d: {  	[sflag:s19] =	ssyncset.done $0x0  }
0x17e: {  	s21 =	simm.s32 $0x200;
	[sflag:s19] =	ssyncadd.s32 $0xFFFFEC00  }
0x17f: {  	[spmem:s3] =	stream.indirect.scatter.add.f32 [tilespmem:s7], [sflag:$0x9], $0x80, s21, s31, $0xb8;
	[tilespmem:$0x1DF78] =	vst v63  }
0x180: {  	_ = 	snop  }
0x181: {  	[spmem:s3] =	stream.indirect.scatter.add.f32 [tilespmem:s9], [sflag:$0x9], $0x80, s21, s31, $0xb8;
	[tilespmem:$0x1DF78] =	vst v63  }
0x182: {  	s23 =	simm.s32 $0x6  }
0x183: {  	[spmem:s2] =	stream.indirect.scatter.add.f32 [tilespmem:s4], [sflag:$0x9], $0x1, s21, s31, $0xb8;
	[tilespmem:$0x1DF78] =	vst v63  }
0x184: {  	_ =	swait.ge [sflag:s23], $0x1400  }
0x185: {  	[sflag:s23] =	ssyncset.done $0x0  }
0x186: {  	[sflag:s23] =	ssyncadd.s32 $0xFFFFEC00  }
0x187: {  	_ =	swait.ge [sflag:s23], $0x1400  }
0x188: {  	[sflag:s23] =	ssyncset.done $0x0  }
0x189: {  	[sflag:s23] =	ssyncadd.s32 $0xFFFFEC00  }
0x18a: {  	[spmem:s3] =	stream.indirect.scatter.add.f32 [tilespmem:s15], [sflag:$0xA], $0x80, s12, s31, $0xb8;
	[tilespmem:$0x1DF78] =	vst v63  }
0x18b: {  	_ = 	snop  }
0x18c: {  	[spmem:s3] =	stream.indirect.scatter.add.f32 [tilespmem:s17], [sflag:$0xA], $0x80, s12, s31, $0xb8;
	[tilespmem:$0x1DF78] =	vst v63  }
0x18d: {  	s24 =	simm.s32 $0xC  }
0x18e: {  	[spmem:s2] =	stream.indirect.scatter.add.f32 [tilespmem:s4], [sflag:$0xA], $0x1, s12, s31, $0xb8;
	[tilespmem:$0x1DF78] =	vst v63  }
0x18f: {  	_ =	swait.ge [sflag:s24], $0x1400  }
0x190: {  	[sflag:s24] =	ssyncset.done $0x0  }
0x191: {  	[sflag:s24] =	ssyncadd.s32 $0xFFFFEC00  }
0x192: {  	_ =	swait.ge [sflag:s24], $0x1400  }
0x193: {  	[sflag:s24] =	ssyncset.done $0x0  }
0x194: {  	[sflag:s24] =	ssyncadd.s32 $0xFFFFEC00  }
0x195: {  	_ =	swait.ge [sflag:s24], $0x28  }
0x196: {  	[sflag:s24] =	ssyncset.done $0x0  }
0x197: {  	[sflag:s24] =	ssyncadd.s32 $0xFFFFFFD8  }
0x198: {  	_ =	swait.ge [sflag:s5], $0x1400  }
0x199: {  	[sflag:s5] =	ssyncset.done $0x0  }
0x19a: {  	[sflag:s5] =	ssyncadd.s32 $0xFFFFEC00  }
0x19b: {  	_ =	swait.ge [sflag:s5], $0x1400  }
0x19c: {  	[sflag:s5] =	ssyncset.done $0x0  }
0x19d: {  	[sflag:s5] =	ssyncadd.s32 $0xFFFFEC00  }
0x19e: {  	_ =	swait.ge [sflag:s5], $0x28  }
0x19f: {  	[sflag:s5] =	ssyncset.done $0x0  }
0x1a0: {  	[sflag:s5] =	ssyncadd.s32 $0xFFFFFFD8  }
0x1a1: {  	_ =	swait.ge [sflag:s14], $0x1400  }
0x1a2: {  	[sflag:s14] =	ssyncset.done $0x0  }
0x1a3: {  	[sflag:s14] =	ssyncadd.s32 $0xFFFFEC00  }
0x1a4: {  	_ =	swait.ge [sflag:s14], $0x1400  }
0x1a5: {  	[sflag:s14] =	ssyncset.done $0x0  }
0x1a6: {  	[sflag:s14] =	ssyncadd.s32 $0xFFFFEC00  }
0x1a7: {  	_ =	swait.ge [sflag:s14], $0x28  }
0x1a8: {  	[sflag:s14] =	ssyncset.done $0x0  }
0x1a9: {  	[sflag:s14] =	ssyncadd.s32 $0xFFFFFFD8  }
0x1aa: {  	[bflag:$0x0] =	sbarrier.arrive $0xFFFF  }
0x1ab: {  	s0 =	rddreg [dreg:$0x12]  }
0x1ac: {  	s1 =	rddreg [dreg:$0x19]  }
0x1ad: {  	s4 =	rddreg [dreg:$0x1a]  }
0x1ae: {  	[hbm:s0], [sflag:s1] =	dma.local @!p0 [spmem:s4], $0x3E80  }
0x1af: {  	s0 =	simm.s32 @!p0 $0xD  }
0x1b0: {  	s10 =	simm.s32 @p3 $0x10;
	_ =	swait.ge @!p0 [sflag:s0], $0x3E80  }
0x1b1: {  	s9 =	simm.s32 @p3 $0x20;
	s4 =	stileid.u32;
	[sflag:s0] =	ssyncset.done @!p0 $0x0  }
0x1b2: {  	s1 =	sshll.u32 @p3 s4, $0x6;
	s12 =	rddreg [dreg:$0x13];
	[sflag:s0] =	ssyncadd.s32 @!p0 $0xFFFFC180  }
0x1b3: {  	s0 =	sor.u32 @p3 $0x1C0D, s1;
	s1 =	sshrl.u32 @p3 s2, $0x3;
	s2 =	simm.s32 @p3 $0x1  }
0x1b4: {  	[hbm:s12@s9], [sflag:s0] =	dma.strided @p3 [spmem:s1@s10], $0x4F0, s2, $0x10   }
0x1b5: {  	s0 =	simm.s32 @p3 $0xD  }
0x1b6: {  	_ =	swait.ge @p3 [sflag:s0], $0x4F0  }
0x1b7: {  	s25 =	rddreg [dreg:$0x18]  }
0x1b8: {  	s26 =	rddreg [dreg:$0x14];
	s2 =	sadd.s32 $0x1, s25  }
0x1b9: {  	p4 =	sne.s32 s2, s26  }
.Ltmp1:
0x1ba: {  	_ = 	snop;
	(pc) =	sbr.rel @p4 .LBB2_1-.Ltmp1, $3  }
0x1bb: {  	_ =	sdelay $0x1  }
0x1bc: {  	s24 =	simm.s32 $0x180;
	[sflag:s0] =	ssyncset.done @p3 $0x0  }
0x1bd: {  	[sflag:s0] =	ssyncadd.s32 @p3 $0xFFFFFB10;
	s25 =	simm.s32 $0x3;
	s26 =	simm.s32 $0x2C00  }
0x1be: {  	_ =	sfence.sel $0x180000  }
0x1bf: {  	[bflag:$0x0] =	sbarrier.arrive $0xFFFF  }
0x1c0: {  	_ =	strace $0x90000047  }
0x1c1: {  	[bflag:$0x2] =	sbarrier.arrive $0xFFFF  }
0x1c2: {  	p0 =	sne.s32 s4, $0x0;
	s0 =	rddreg [dreg:$0x6]  }
0x1c3: {  	s0 =	sadd.s32 @!p0 $0x100000, s0  }
0x1c4: {  	[sflag:s0] =	ssyncadd.tile.s32 @!p0 $0x1;
	_ =	shalt  }
.Lfunc_end2:
_tile_overlayer_lowered:
.L_overlay_start_2:
0x1c5: {  	(tag) =	ssettag $0x2  }
0x1c6: {  	s0 =	rddreg [dreg:$0x0];
	s2 =	stileid.u32  }
0x1c7: {  	s1 =	rddreg [dreg:$0x1];
	p0 =	sne.s32 s2, $0x0  }
0x1c8: {  	s3 =	rddreg [dreg:$0x2];
	[bflag:$0x3] =	sbarrier.arrive $0xFFFF;
	s2 =	simm.s32 @!p0 $0x1C0D  }
0x1c9: {  	[timem:s3], [sflag:s2] =	dma.local @!p0 [hbm:s0], s1  }
0x1ca: {  	s0 =	simm.s32 @!p0 $0xD  }
0x1cb: {  	_ =	swait.ge @!p0 [sflag:s0], s1  }
0x1cc: {  	s1 =	ssub.s32 @!p0 $0x0, s1;
	[sflag:s0] =	ssyncset.done @!p0 $0x0  }
0x1cd: {  	[sflag:s0] =	ssyncadd.s32 @!p0 s1  }
0x1ce: {  	[bflag:$0x3] =	sbarrier.arrive $0xFFFF  }
0x1cf: {  	_ =	shalt  }

</sc_bundles>
